<compile_context>
chip_gen: v7x
topology: tpu7x:2x2x1
jax: 0.10.2.dev20260603
libtpu: 0.0.44.dev20260713+nightly
codegen_flags: <defaults>
</compile_context>

<pallas_src>
import functools

import jax
import jax.numpy as jnp
from jax import lax
from jax.experimental import pallas as pl
from jax.experimental.pallas import tpu as pltpu
from jax.experimental.pallas import tpu_sc as plsc

N = 10000
D = 128
NC, NS, L = 2, 16, 16
NW = NC * NS
K = 128
NPAD = 10240
RPS = NPAD // NS
DUMMY = N
BM = 1024
GRID = NPAD // BM


def _sc_mesh():
    return plsc.VectorSubcoreMesh(
        core_axis_name="c", subcore_axis_name="s",
        num_cores=NC, num_subcores=NS)



def _deg_partials(idx3, ones0, zeros_d, cpt):
    @functools.partial(
        pl.kernel,
        out_type=jax.ShapeDtypeStruct((NC, NPAD, D), jnp.float32),
        mesh=_sc_mesh(),
        scratch_types=[
            pltpu.VMEM((cpt, K), jnp.int32),
            pltpu.VMEM((K, D), jnp.float32),
            pltpu.VMEM_SHARED((NPAD, D), jnp.float32),
            pltpu.SemaphoreType.DMA,
        ],
    )
    def deg_k(idx_hbm, ones_hbm, z_hbm, deg_hbm, idx_v, ones_v, acc, sem):
        cid = lax.axis_index("c")
        sid = lax.axis_index("s")
        wid = cid * NS + sid
        pltpu.sync_copy(idx_hbm.at[wid], idx_v)
        pltpu.sync_copy(ones_hbm, ones_v)
        r0 = sid * RPS
        pltpu.sync_copy(z_hbm, acc.at[pl.ds(r0, RPS)])
        plsc.subcore_barrier()

        def body(c, carry):
            pltpu.async_copy(ones_v, acc.at[idx_v.at[c]], sem, add=True)

            @pl.when(c > 0)
            def _():
                pltpu.make_async_copy(ones_v, acc.at[pl.ds(0, K)], sem).wait()

            return carry

        lax.fori_loop(0, cpt, body, 0)
        pltpu.make_async_copy(ones_v, acc.at[pl.ds(0, K)], sem).wait()
        plsc.subcore_barrier()
        pltpu.sync_copy(acc.at[pl.ds(r0, RPS)],
                        deg_hbm.at[cid, pl.ds(r0, RPS)])

    return deg_k(idx3, ones0, zeros_d)



def _agg_partials(h_pad, src3, dst3, zeros_d, cpt):
    @functools.partial(
        pl.kernel,
        out_type=jax.ShapeDtypeStruct((NC, NPAD, D), jnp.float32),
        mesh=_sc_mesh(),
        scratch_types=[
            pltpu.VMEM((cpt, K), jnp.int32),
            pltpu.VMEM((cpt, K), jnp.int32),
            pltpu.VMEM((K, D), jnp.float32),
            pltpu.VMEM_SHARED((NPAD, D), jnp.float32),
            pltpu.SemaphoreType.DMA,
        ],
    )
    def agg_k(h_hbm, src_hbm, dst_hbm, z_hbm, out_hbm,
              src_v, dst_v, rows_v, acc, sem):
        cid = lax.axis_index("c")
        sid = lax.axis_index("s")
        wid = cid * NS + sid
        pltpu.sync_copy(src_hbm.at[wid], src_v)
        pltpu.sync_copy(dst_hbm.at[wid], dst_v)
        r0 = sid * RPS
        pltpu.sync_copy(z_hbm, acc.at[pl.ds(r0, RPS)])
        plsc.subcore_barrier()

        def body(c, carry):
            pltpu.async_copy(h_hbm.at[src_v.at[c]], rows_v, sem).wait()
            pltpu.sync_copy(rows_v, acc.at[dst_v.at[c]], add=True)
            return carry

        lax.fori_loop(0, cpt, body, 0)
        plsc.subcore_barrier()
        pltpu.sync_copy(acc.at[pl.ds(r0, RPS)],
                        out_hbm.at[cid, pl.ds(r0, RPS)])

    return agg_k(h_pad, src3, dst3, zeros_d)



def _norm(pdeg):
    deg = (pdeg[0] + pdeg[1])[:, 0:1]
    return jnp.where(deg > 0, lax.rsqrt(deg), 0.0)


def _tc1_body(x_ref, w_ref, b_ref, po_ref, o_ref):
    ns = _norm(po_ref[...])
    h = jnp.dot(x_ref[...], w_ref[...], preferred_element_type=jnp.float32)
    o_ref[...] = (h + b_ref[...]) * ns


def _tc1(xp, w_fc, b_fc, dout_p):
    return pl.pallas_call(
        _tc1_body,
        grid=(GRID,),
        in_specs=[pl.BlockSpec((BM, D), lambda i: (i, 0)),
                  pl.BlockSpec((D, D), lambda i: (0, 0)),
                  pl.BlockSpec((1, D), lambda i: (0, 0)),
                  pl.BlockSpec((NC, BM, D), lambda i: (0, i, 0))],
        out_specs=pl.BlockSpec((BM, D), lambda i: (i, 0)),
        out_shape=jax.ShapeDtypeStruct((NPAD, D), jnp.float32),
    )(xp, w_fc, b_fc.reshape(1, D), dout_p)


def _tc2_body(a_ref, po_ref, pi_ref, b_ref, o_ref):
    agg = a_ref[0] + a_ref[1]
    ns = _norm(po_ref[...])
    nd = _norm(pi_ref[...])
    h = jnp.maximum(agg * nd + b_ref[...], 0.0)
    o_ref[...] = h * ns


def _tc2(p1, dout_p, din_p, b_gc1):
    return pl.pallas_call(
        _tc2_body,
        grid=(GRID,),
        in_specs=[pl.BlockSpec((NC, BM, D), lambda i: (0, i, 0)),
                  pl.BlockSpec((NC, BM, D), lambda i: (0, i, 0)),
                  pl.BlockSpec((NC, BM, D), lambda i: (0, i, 0)),
                  pl.BlockSpec((1, D), lambda i: (0, 0))],
        out_specs=pl.BlockSpec((BM, D), lambda i: (i, 0)),
        out_shape=jax.ShapeDtypeStruct((NPAD, D), jnp.float32),
    )(p1, dout_p, din_p, b_gc1.reshape(1, D))


def _tc3_body(a_ref, pi_ref, w_ref, b_ref, o_ref):
    agg = (a_ref[0] + a_ref[1]) * _norm(pi_ref[...])
    h = jnp.dot(agg, w_ref[...], preferred_element_type=jnp.float32)
    o_ref[...] = jnp.maximum(h + b_ref[...], 0.0)


def _tc3(p2, din_p, w_gc2, b_gc2):
    return pl.pallas_call(
        _tc3_body,
        grid=(GRID,),
        in_specs=[pl.BlockSpec((NC, BM, D), lambda i: (0, i, 0)),
                  pl.BlockSpec((NC, BM, D), lambda i: (0, i, 0)),
                  pl.BlockSpec((D, D), lambda i: (0, 0)),
                  pl.BlockSpec((1, D), lambda i: (0, 0))],
        out_specs=pl.BlockSpec((BM, D), lambda i: (i, 0)),
        out_shape=jax.ShapeDtypeStruct((N, D), jnp.float32),
    )(p2, din_p, w_gc2, b_gc2.reshape(1, D))



def kernel(x, edge_index, W_fc, b_fc, b_gc1, W_gc2, b_gc2):
    src = edge_index[0].astype(jnp.int32)
    dst = edge_index[1].astype(jnp.int32)
    e = src.shape[0]
    cpt = -(-e // (NW * K))
    pad = NW * K * cpt - e
    fill = jnp.full((pad,), DUMMY, jnp.int32)
    src3 = jnp.concatenate([src, fill]).reshape(NW, cpt, K)
    dst3 = jnp.concatenate([dst, fill]).reshape(NW, cpt, K)
    xp = jnp.pad(x, ((0, NPAD - N), (0, 0)))
    zeros_d = jnp.zeros((RPS, D), jnp.float32)
    ones0 = jnp.zeros((K, D), jnp.float32).at[:, 0].set(1.0)

    dout_p = _deg_partials(src3, ones0, zeros_d, cpt)
    din_p = _deg_partials(dst3, ones0, zeros_d, cpt)
    h0s = _tc1(xp, W_fc, b_fc, dout_p)
    p1 = _agg_partials(h0s, src3, dst3, zeros_d, cpt)
    h1s = _tc2(p1, dout_p, din_p, b_gc1)
    p2 = _agg_partials(h1s, src3, dst3, zeros_d, cpt)
    return _tc3(p2, din_p, W_gc2, b_gc2)

# --- scband reference (transcript-rebuilt; emitter-appended) ---
"""Pipeline reference for scband-gcn-23055384445692 (READ-ONLY COPY).

The authoritative reference and input builder live on the scoring server;
editing this copy changes nothing except your own understanding.
"""

import jax, jax.numpy as jnp
import numpy as np

N = 10000
E = 320000
D_IN = 128
D_HID = 128


def _gcn_layer(h, src, dst, n_nodes, W=None, b=None):
    # DGL GraphConv with norm='both', allow_zero_in_degree=True:
    #   h' = D_in^{-1/2} A D_out^{-1/2} h [W] [+ b], then activation
    deg_out = jnp.bincount(src, length=n_nodes).astype(h.dtype)
    deg_in = jnp.bincount(dst, length=n_nodes).astype(h.dtype)
    norm_src = jnp.where(deg_out > 0, deg_out ** -0.5, 0.0)
    norm_dst = jnp.where(deg_in > 0, deg_in ** -0.5, 0.0)
    h = h * norm_src[:, None]
    msgs = jnp.take(h, src, axis=0)              # gather over edges
    agg = jax.ops.segment_sum(msgs, dst, num_segments=n_nodes)  # scatter-add
    agg = agg * norm_dst[:, None]
    if W is not None:
        agg = agg @ W
    if b is not None:
        agg = agg + b
    return jax.nn.relu(agg)


def setup_inputs(seed: int = 0) -> dict:
    key = jax.random.key(seed)
    k1, k2, k3, k4, k5, k6, k7 = jax.random.split(key, 7)
    x = jax.random.normal(k1, (N, D_IN), dtype=jnp.float32)
    edge_index = jax.random.randint(k2, (2, E), 0, N, dtype=jnp.int64)
    # fc_list[0]: Linear(D_IN, D_HID), xavier_normal gain=1.414
    std = 1.414 * (2.0 / (D_IN + D_HID)) ** 0.5
    W_fc = jax.random.normal(k3, (D_IN, D_HID), dtype=jnp.float32) * std
    b_fc = jnp.zeros((D_HID,), dtype=jnp.float32)
    # layer 0: GraphConv(weight=False) -> bias only
    b_gc1 = jnp.zeros((D_HID,), dtype=jnp.float32)
    # layer 1: GraphConv with weight + bias
    W_gc2 = jax.random.normal(k5, (D_HID, D_HID), dtype=jnp.float32) * (1.0 / D_HID ** 0.5)
    b_gc2 = jnp.zeros((D_HID,), dtype=jnp.float32)
    return {"x": x, "edge_index": edge_index, "W_fc": W_fc, "b_fc": b_fc,
            "b_gc1": b_gc1, "W_gc2": W_gc2, "b_gc2": b_gc2}


def reference(x, edge_index, W_fc, b_fc, b_gc1, W_gc2, b_gc2):
    # 'pretrain' path with a single node-type feature list:
    # per-type Linear -> concat -> num_layers GraphConv (dropout p=0.0 = identity)
    src = edge_index[0]
    dst = edge_index[1]
    h = x @ W_fc + b_fc
    h = _gcn_layer(h, src, dst, N, W=None, b=b_gc1)
    h = _gcn_layer(h, src, dst, N, W=W_gc2, b=b_gc2)
    return h

if __name__ == "__main__":
    import jax
    _d = setup_inputs()
    print(jax.jit(kernel)(*tuple(_d.values())))

</pallas_src>

<mosaic_0001>
#map = affine_map<(d0, d1) -> (0, 0)>
#map1 = affine_map<(d0, d1) -> (0, 0, 0)>
module attributes {stable_mosaic.version = 14 : i64} {
  func.func @agg_k(%arg0: i32, %arg1: i32, %arg2: memref<10240x128xf32, #tpu.memory_space<hbm>>, %arg3: memref<32x79x128xi32, #tpu.memory_space<hbm>>, %arg4: memref<32x79x128xi32, #tpu.memory_space<hbm>>, %arg5: memref<640x128xf32, #tpu.memory_space<hbm>>, %arg6: memref<2x10240x128xf32, #tpu.memory_space<hbm>>, %arg7: memref<79x128xi32, #tpu.memory_space<vmem>>, %arg8: memref<79x128xi32, #tpu.memory_space<vmem>>, %arg9: memref<128x128xf32, #tpu.memory_space<vmem>>, %arg10: memref<10240x128xf32, #tpu.memory_space<vmem_shared>>, %arg11: memref<!tpu.dma_semaphore, #tpu.memory_space<semaphore_mem>>) attributes {dimension_semantics = [#tpu.dimension_semantics<core_parallel>, #tpu.dimension_semantics<subcore_parallel>], iteration_bounds = array<i64: 2, 16>, scalar_prefetch = 0 : i64, scratch_operands = 5 : i64, tpu.core_type = #tpu.core_type<sc_vector_subcore>, window_params = [{transform_indices = #map}, {transform_indices = #map1}, {transform_indices = #map1}, {transform_indices = #map}, {transform_indices = #map1}]} {
    %mul3A = arith.constant 16 : i32
    %mul3A_0 = arith.muli %arg0, %mul3A : i32
    %add3A = arith.addi %mul3A_0, %arg1 : i32
    "tpu.region"() ({
      %run_scoped3A = tpu.sem_alloc : memref<!tpu.dma_semaphore, #tpu.memory_space<semaphore_mem>>
      %dma_start3A = arith.constant 0 : i32
      %dma_start3A_9 = arith.constant 0 : i32
      %dma_start3A_10 = tpu.memref_slice %arg3[%add3A, %dma_start3A, %dma_start3A_9] : memref<32x79x128xi32, #tpu.memory_space<hbm>> -> memref<1x79x128xi32, #tpu.memory_space<hbm>>
      %dma_start3A_11 = tpu.memref_squeeze %dma_start3A_10 : memref<1x79x128xi32, #tpu.memory_space<hbm>> -> memref<79x128xi32, #tpu.memory_space<hbm>>
      %dma_start3A_12 = arith.constant 0 : i32
      %dma_start3A_13 = arith.constant 0 : i32
      %dma_start3A_14 = tpu.memref_slice %arg3[%add3A, %dma_start3A_12, %dma_start3A_13] : memref<32x79x128xi32, #tpu.memory_space<hbm>> -> memref<1x79x128xi32, #tpu.memory_space<hbm>>
      %dma_start3A_15 = tpu.memref_squeeze %dma_start3A_14 : memref<1x79x128xi32, #tpu.memory_space<hbm>> -> memref<79x128xi32, #tpu.memory_space<hbm>>
      tpu.enqueue_dma source(%dma_start3A_15 : memref<79x128xi32, #tpu.memory_space<hbm>>) target(%arg7 : memref<79x128xi32, #tpu.memory_space<vmem>>) target_semaphore(%run_scoped3A : memref<!tpu.dma_semaphore, #tpu.memory_space<semaphore_mem>>)
      %dma_wait3A = arith.constant 0 : i32
      %dma_wait3A_16 = arith.constant 0 : i32
      %dma_wait3A_17 = tpu.memref_slice %arg3[%add3A, %dma_wait3A, %dma_wait3A_16] : memref<32x79x128xi32, #tpu.memory_space<hbm>> -> memref<1x79x128xi32, #tpu.memory_space<hbm>>
      %dma_wait3A_18 = tpu.memref_squeeze %dma_wait3A_17 : memref<1x79x128xi32, #tpu.memory_space<hbm>> -> memref<79x128xi32, #tpu.memory_space<hbm>>
      %dma_wait3A_19 = arith.constant 0 : i32
      %dma_wait3A_20 = arith.constant 0 : i32
      %dma_wait3A_21 = tpu.memref_slice %arg3[%add3A, %dma_wait3A_19, %dma_wait3A_20] : memref<32x79x128xi32, #tpu.memory_space<hbm>> -> memref<1x79x128xi32, #tpu.memory_space<hbm>>
      %dma_wait3A_22 = tpu.memref_squeeze %dma_wait3A_21 : memref<1x79x128xi32, #tpu.memory_space<hbm>> -> memref<79x128xi32, #tpu.memory_space<hbm>>
      tpu.wait_dma2 semaphore(%run_scoped3A : memref<!tpu.dma_semaphore, #tpu.memory_space<semaphore_mem>>) src(%dma_wait3A_22 : memref<79x128xi32, #tpu.memory_space<hbm>>) dst(%arg7 : memref<79x128xi32, #tpu.memory_space<vmem>>)
      tpu.yield
    }) : () -> ()
    "tpu.region"() ({
      %run_scoped3A = tpu.sem_alloc : memref<!tpu.dma_semaphore, #tpu.memory_space<semaphore_mem>>
      %dma_start3A = arith.constant 0 : i32
      %dma_start3A_9 = arith.constant 0 : i32
      %dma_start3A_10 = tpu.memref_slice %arg4[%add3A, %dma_start3A, %dma_start3A_9] : memref<32x79x128xi32, #tpu.memory_space<hbm>> -> memref<1x79x128xi32, #tpu.memory_space<hbm>>
      %dma_start3A_11 = tpu.memref_squeeze %dma_start3A_10 : memref<1x79x128xi32, #tpu.memory_space<hbm>> -> memref<79x128xi32, #tpu.memory_space<hbm>>
      %dma_start3A_12 = arith.constant 0 : i32
      %dma_start3A_13 = arith.constant 0 : i32
      %dma_start3A_14 = tpu.memref_slice %arg4[%add3A, %dma_start3A_12, %dma_start3A_13] : memref<32x79x128xi32, #tpu.memory_space<hbm>> -> memref<1x79x128xi32, #tpu.memory_space<hbm>>
      %dma_start3A_15 = tpu.memref_squeeze %dma_start3A_14 : memref<1x79x128xi32, #tpu.memory_space<hbm>> -> memref<79x128xi32, #tpu.memory_space<hbm>>
      tpu.enqueue_dma source(%dma_start3A_15 : memref<79x128xi32, #tpu.memory_space<hbm>>) target(%arg8 : memref<79x128xi32, #tpu.memory_space<vmem>>) target_semaphore(%run_scoped3A : memref<!tpu.dma_semaphore, #tpu.memory_space<semaphore_mem>>)
      %dma_wait3A = arith.constant 0 : i32
      %dma_wait3A_16 = arith.constant 0 : i32
      %dma_wait3A_17 = tpu.memref_slice %arg4[%add3A, %dma_wait3A, %dma_wait3A_16] : memref<32x79x128xi32, #tpu.memory_space<hbm>> -> memref<1x79x128xi32, #tpu.memory_space<hbm>>
      %dma_wait3A_18 = tpu.memref_squeeze %dma_wait3A_17 : memref<1x79x128xi32, #tpu.memory_space<hbm>> -> memref<79x128xi32, #tpu.memory_space<hbm>>
      %dma_wait3A_19 = arith.constant 0 : i32
      %dma_wait3A_20 = arith.constant 0 : i32
      %dma_wait3A_21 = tpu.memref_slice %arg4[%add3A, %dma_wait3A_19, %dma_wait3A_20] : memref<32x79x128xi32, #tpu.memory_space<hbm>> -> memref<1x79x128xi32, #tpu.memory_space<hbm>>
      %dma_wait3A_22 = tpu.memref_squeeze %dma_wait3A_21 : memref<1x79x128xi32, #tpu.memory_space<hbm>> -> memref<79x128xi32, #tpu.memory_space<hbm>>
      tpu.wait_dma2 semaphore(%run_scoped3A : memref<!tpu.dma_semaphore, #tpu.memory_space<semaphore_mem>>) src(%dma_wait3A_22 : memref<79x128xi32, #tpu.memory_space<hbm>>) dst(%arg8 : memref<79x128xi32, #tpu.memory_space<vmem>>)
      tpu.yield
    }) : () -> ()
    %mul3A_1 = arith.constant 640 : i32
    %mul3A_2 = arith.muli %arg1, %mul3A_1 : i32
    "tpu.region"() ({
      %run_scoped3A = tpu.sem_alloc : memref<!tpu.dma_semaphore, #tpu.memory_space<semaphore_mem>>
      %dma_start3A = arith.constant 0 : i32
      %dma_start3A_9 = tpu.memref_slice %arg10[%mul3A_2, %dma_start3A] : memref<10240x128xf32, #tpu.memory_space<vmem_shared>> -> memref<640x128xf32, #tpu.memory_space<vmem_shared>>
      tpu.enqueue_dma source(%arg5 : memref<640x128xf32, #tpu.memory_space<hbm>>) target(%dma_start3A_9 : memref<640x128xf32, #tpu.memory_space<vmem_shared>>) target_semaphore(%run_scoped3A : memref<!tpu.dma_semaphore, #tpu.memory_space<semaphore_mem>>)
      %dma_wait3A = arith.constant 0 : i32
      %dma_wait3A_10 = tpu.memref_slice %arg10[%mul3A_2, %dma_wait3A] : memref<10240x128xf32, #tpu.memory_space<vmem_shared>> -> memref<640x128xf32, #tpu.memory_space<vmem_shared>>
      tpu.wait_dma2 semaphore(%run_scoped3A : memref<!tpu.dma_semaphore, #tpu.memory_space<semaphore_mem>>) src(%arg5 : memref<640x128xf32, #tpu.memory_space<hbm>>) dst(%dma_wait3A_10 : memref<640x128xf32, #tpu.memory_space<vmem_shared>>)
      tpu.yield
    }) : () -> ()
    %barrier3A = arith.constant 0 : index
    tpu.barrier barrier_id(%barrier3A)
    %scan3A = arith.constant 0 : i32
    %scan3A_3 = arith.constant 0 : i32
    %scan3A_4 = arith.constant 79 : i32
    %scan3A_5 = arith.addi %scan3A_3, %scan3A_4 : i32
    %scan3A_6 = arith.constant 1 : i32
    scf.for %scan3A_9 = %scan3A_3 to %scan3A_5 step %scan3A_6  : i32 {
      %dma_start3A = arith.constant 0 : i32
      %dma_start3A_10 = tpu.memref_slice %arg7[%scan3A_9, %dma_start3A] : memref<79x128xi32, #tpu.memory_space<vmem>> -> memref<1x128xi32, #tpu.memory_space<vmem>>
      %dma_start3A_11 = tpu.memref_squeeze %dma_start3A_10 : memref<1x128xi32, #tpu.memory_space<vmem>> -> memref<128xi32, #tpu.memory_space<vmem>>
      %dma_start3A_12 = arith.constant 0 : i32
      %dma_start3A_13 = arith.constant 0 : i32
      %dma_start3A_14 = tpu.memref_slice %arg2[%dma_start3A_12, %dma_start3A_13] : memref<10240x128xf32, #tpu.memory_space<hbm>> -> memref<10240x128xf32, #tpu.memory_space<hbm>>
      tpu.enqueue_indirect_dma source(%dma_start3A_14 : memref<10240x128xf32, #tpu.memory_space<hbm>>) target(%arg9 : memref<128x128xf32, #tpu.memory_space<vmem>>) offsets(%dma_start3A_11 : memref<128xi32, #tpu.memory_space<vmem>>) semaphore(%arg11 : memref<!tpu.dma_semaphore, #tpu.memory_space<semaphore_mem>>)
      %dma_wait3A = arith.constant 0 : i32
      %dma_wait3A_15 = tpu.memref_slice %arg7[%scan3A_9, %dma_wait3A] : memref<79x128xi32, #tpu.memory_space<vmem>> -> memref<1x128xi32, #tpu.memory_space<vmem>>
      %dma_wait3A_16 = tpu.memref_squeeze %dma_wait3A_15 : memref<1x128xi32, #tpu.memory_space<vmem>> -> memref<128xi32, #tpu.memory_space<vmem>>
      %dma_wait3A_17 = arith.constant 0 : i32
      %dma_wait3A_18 = arith.constant 0 : i32
      %dma_wait3A_19 = tpu.memref_slice %arg2[%dma_wait3A_17, %dma_wait3A_18] : memref<10240x128xf32, #tpu.memory_space<hbm>> -> memref<10240x128xf32, #tpu.memory_space<hbm>>
      tpu.wait_indirect_dma semaphore(%arg11 : memref<!tpu.dma_semaphore, #tpu.memory_space<semaphore_mem>>) src(%dma_wait3A_19 : memref<10240x128xf32, #tpu.memory_space<hbm>>) dst(%arg9 : memref<128x128xf32, #tpu.memory_space<vmem>>)
      "tpu.region"() ({
        %run_scoped3A = tpu.sem_alloc : memref<!tpu.dma_semaphore, #tpu.memory_space<semaphore_mem>>
        %dma_start3A_20 = arith.constant 0 : i32
        %dma_start3A_21 = tpu.memref_slice %arg8[%scan3A_9, %dma_start3A_20] : memref<79x128xi32, #tpu.memory_space<vmem>> -> memref<1x128xi32, #tpu.memory_space<vmem>>
        %dma_start3A_22 = tpu.memref_squeeze %dma_start3A_21 : memref<1x128xi32, #tpu.memory_space<vmem>> -> memref<128xi32, #tpu.memory_space<vmem>>
        %dma_start3A_23 = arith.constant 0 : i32
        %dma_start3A_24 = arith.constant 0 : i32
        %dma_start3A_25 = tpu.memref_slice %arg10[%dma_start3A_23, %dma_start3A_24] : memref<10240x128xf32, #tpu.memory_space<vmem_shared>> -> memref<10240x128xf32, #tpu.memory_space<vmem_shared>>
        tpu.enqueue_indirect_dma source(%arg9 : memref<128x128xf32, #tpu.memory_space<vmem>>) target(%dma_start3A_25 : memref<10240x128xf32, #tpu.memory_space<vmem_shared>>) offsets(%dma_start3A_22 : memref<128xi32, #tpu.memory_space<vmem>>) semaphore(%run_scoped3A : memref<!tpu.dma_semaphore, #tpu.memory_space<semaphore_mem>>) {add = true}
        %dma_wait3A_26 = arith.constant 0 : i32
        %dma_wait3A_27 = tpu.memref_slice %arg8[%scan3A_9, %dma_wait3A_26] : memref<79x128xi32, #tpu.memory_space<vmem>> -> memref<1x128xi32, #tpu.memory_space<vmem>>
        %dma_wait3A_28 = tpu.memref_squeeze %dma_wait3A_27 : memref<1x128xi32, #tpu.memory_space<vmem>> -> memref<128xi32, #tpu.memory_space<vmem>>
        %dma_wait3A_29 = arith.constant 0 : i32
        %dma_wait3A_30 = arith.constant 0 : i32
        %dma_wait3A_31 = tpu.memref_slice %arg10[%dma_wait3A_29, %dma_wait3A_30] : memref<10240x128xf32, #tpu.memory_space<vmem_shared>> -> memref<10240x128xf32, #tpu.memory_space<vmem_shared>>
        tpu.wait_indirect_dma semaphore(%run_scoped3A : memref<!tpu.dma_semaphore, #tpu.memory_space<semaphore_mem>>) src(%arg9 : memref<128x128xf32, #tpu.memory_space<vmem>>) dst(%dma_wait3A_31 : memref<10240x128xf32, #tpu.memory_space<vmem_shared>>)
        tpu.yield
      }) : () -> ()
    }
    %scan3A_7 = arith.constant 79 : i32
    %barrier3A_8 = arith.constant 0 : index
    tpu.barrier barrier_id(%barrier3A_8)
    "tpu.region"() ({
      %run_scoped3A = tpu.sem_alloc : memref<!tpu.dma_semaphore, #tpu.memory_space<semaphore_mem>>
      %dma_start3A = arith.constant 0 : i32
      %dma_start3A_9 = tpu.memref_slice %arg6[%arg0, %mul3A_2, %dma_start3A] : memref<2x10240x128xf32, #tpu.memory_space<hbm>> -> memref<1x640x128xf32, #tpu.memory_space<hbm>>
      %dma_start3A_10 = tpu.memref_squeeze %dma_start3A_9 : memref<1x640x128xf32, #tpu.memory_space<hbm>> -> memref<640x128xf32, #tpu.memory_space<hbm>>
      %dma_start3A_11 = arith.constant 0 : i32
      %dma_start3A_12 = tpu.memref_slice %arg10[%mul3A_2, %dma_start3A_11] : memref<10240x128xf32, #tpu.memory_space<vmem_shared>> -> memref<640x128xf32, #tpu.memory_space<vmem_shared>>
      tpu.enqueue_dma source(%dma_start3A_12 : memref<640x128xf32, #tpu.memory_space<vmem_shared>>) target(%dma_start3A_10 : memref<640x128xf32, #tpu.memory_space<hbm>>) target_semaphore(%run_scoped3A : memref<!tpu.dma_semaphore, #tpu.memory_space<semaphore_mem>>)
      %dma_wait3A = arith.constant 0 : i32
      %dma_wait3A_13 = tpu.memref_slice %arg6[%arg0, %mul3A_2, %dma_wait3A] : memref<2x10240x128xf32, #tpu.memory_space<hbm>> -> memref<1x640x128xf32, #tpu.memory_space<hbm>>
      %dma_wait3A_14 = tpu.memref_squeeze %dma_wait3A_13 : memref<1x640x128xf32, #tpu.memory_space<hbm>> -> memref<640x128xf32, #tpu.memory_space<hbm>>
      %dma_wait3A_15 = arith.constant 0 : i32
      %dma_wait3A_16 = tpu.memref_slice %arg10[%mul3A_2, %dma_wait3A_15] : memref<10240x128xf32, #tpu.memory_space<vmem_shared>> -> memref<640x128xf32, #tpu.memory_space<vmem_shared>>
      tpu.wait_dma2 semaphore(%run_scoped3A : memref<!tpu.dma_semaphore, #tpu.memory_space<semaphore_mem>>) src(%dma_wait3A_16 : memref<640x128xf32, #tpu.memory_space<vmem_shared>>) dst(%dma_wait3A_14 : memref<640x128xf32, #tpu.memory_space<hbm>>)
      tpu.yield
    }) : () -> ()
    return
  }
}

#map = affine_map<(d0, d1) -> (0, 0)>
#map1 = affine_map<(d0, d1) -> (0, 0, 0)>
module attributes {stable_mosaic.version = 14 : i64} {
  func.func @agg_k(%arg0: i32, %arg1: i32, %arg2: memref<10240x128xf32, #tpu.memory_space<hbm>>, %arg3: memref<32x79x128xi32, #tpu.memory_space<hbm>>, %arg4: memref<32x79x128xi32, #tpu.memory_space<hbm>>, %arg5: memref<640x128xf32, #tpu.memory_space<hbm>>, %arg6: memref<2x10240x128xf32, #tpu.memory_space<hbm>>, %arg7: memref<79x128xi32, #tpu.memory_space<vmem>>, %arg8: memref<79x128xi32, #tpu.memory_space<vmem>>, %arg9: memref<128x128xf32, #tpu.memory_space<vmem>>, %arg10: memref<10240x128xf32, #tpu.memory_space<vmem_shared>>, %arg11: memref<!tpu.dma_semaphore, #tpu.memory_space<semaphore_mem>>) attributes {dimension_semantics = [#tpu.dimension_semantics<core_parallel>, #tpu.dimension_semantics<subcore_parallel>], iteration_bounds = array<i64: 2, 16>, scalar_prefetch = 0 : i64, scratch_operands = 5 : i64, tpu.core_type = #tpu.core_type<sc_vector_subcore>, window_params = [{transform_indices = #map}, {transform_indices = #map1}, {transform_indices = #map1}, {transform_indices = #map}, {transform_indices = #map1}]} {
    %mul3A = arith.constant 16 : i32
    %mul3A_0 = arith.muli %arg0, %mul3A : i32
    %add3A = arith.addi %mul3A_0, %arg1 : i32
    "tpu.region"() ({
      %run_scoped3A = tpu.sem_alloc : memref<!tpu.dma_semaphore, #tpu.memory_space<semaphore_mem>>
      %dma_start3A = arith.constant 0 : i32
      %dma_start3A_9 = arith.constant 0 : i32
      %dma_start3A_10 = tpu.memref_slice %arg3[%add3A, %dma_start3A, %dma_start3A_9] : memref<32x79x128xi32, #tpu.memory_space<hbm>> -> memref<1x79x128xi32, #tpu.memory_space<hbm>>
      %dma_start3A_11 = tpu.memref_squeeze %dma_start3A_10 : memref<1x79x128xi32, #tpu.memory_space<hbm>> -> memref<79x128xi32, #tpu.memory_space<hbm>>
      %dma_start3A_12 = arith.constant 0 : i32
      %dma_start3A_13 = arith.constant 0 : i32
      %dma_start3A_14 = tpu.memref_slice %arg3[%add3A, %dma_start3A_12, %dma_start3A_13] : memref<32x79x128xi32, #tpu.memory_space<hbm>> -> memref<1x79x128xi32, #tpu.memory_space<hbm>>
      %dma_start3A_15 = tpu.memref_squeeze %dma_start3A_14 : memref<1x79x128xi32, #tpu.memory_space<hbm>> -> memref<79x128xi32, #tpu.memory_space<hbm>>
      tpu.enqueue_dma source(%dma_start3A_15 : memref<79x128xi32, #tpu.memory_space<hbm>>) target(%arg7 : memref<79x128xi32, #tpu.memory_space<vmem>>) target_semaphore(%run_scoped3A : memref<!tpu.dma_semaphore, #tpu.memory_space<semaphore_mem>>)
      %dma_wait3A = arith.constant 0 : i32
      %dma_wait3A_16 = arith.constant 0 : i32
      %dma_wait3A_17 = tpu.memref_slice %arg3[%add3A, %dma_wait3A, %dma_wait3A_16] : memref<32x79x128xi32, #tpu.memory_space<hbm>> -> memref<1x79x128xi32, #tpu.memory_space<hbm>>
      %dma_wait3A_18 = tpu.memref_squeeze %dma_wait3A_17 : memref<1x79x128xi32, #tpu.memory_space<hbm>> -> memref<79x128xi32, #tpu.memory_space<hbm>>
      %dma_wait3A_19 = arith.constant 0 : i32
      %dma_wait3A_20 = arith.constant 0 : i32
      %dma_wait3A_21 = tpu.memref_slice %arg3[%add3A, %dma_wait3A_19, %dma_wait3A_20] : memref<32x79x128xi32, #tpu.memory_space<hbm>> -> memref<1x79x128xi32, #tpu.memory_space<hbm>>
      %dma_wait3A_22 = tpu.memref_squeeze %dma_wait3A_21 : memref<1x79x128xi32, #tpu.memory_space<hbm>> -> memref<79x128xi32, #tpu.memory_space<hbm>>
      tpu.wait_dma2 semaphore(%run_scoped3A : memref<!tpu.dma_semaphore, #tpu.memory_space<semaphore_mem>>) src(%dma_wait3A_22 : memref<79x128xi32, #tpu.memory_space<hbm>>) dst(%arg7 : memref<79x128xi32, #tpu.memory_space<vmem>>)
      tpu.yield
    }) : () -> ()
    "tpu.region"() ({
      %run_scoped3A = tpu.sem_alloc : memref<!tpu.dma_semaphore, #tpu.memory_space<semaphore_mem>>
      %dma_start3A = arith.constant 0 : i32
      %dma_start3A_9 = arith.constant 0 : i32
      %dma_start3A_10 = tpu.memref_slice %arg4[%add3A, %dma_start3A, %dma_start3A_9] : memref<32x79x128xi32, #tpu.memory_space<hbm>> -> memref<1x79x128xi32, #tpu.memory_space<hbm>>
      %dma_start3A_11 = tpu.memref_squeeze %dma_start3A_10 : memref<1x79x128xi32, #tpu.memory_space<hbm>> -> memref<79x128xi32, #tpu.memory_space<hbm>>
      %dma_start3A_12 = arith.constant 0 : i32
      %dma_start3A_13 = arith.constant 0 : i32
      %dma_start3A_14 = tpu.memref_slice %arg4[%add3A, %dma_start3A_12, %dma_start3A_13] : memref<32x79x128xi32, #tpu.memory_space<hbm>> -> memref<1x79x128xi32, #tpu.memory_space<hbm>>
      %dma_start3A_15 = tpu.memref_squeeze %dma_start3A_14 : memref<1x79x128xi32, #tpu.memory_space<hbm>> -> memref<79x128xi32, #tpu.memory_space<hbm>>
      tpu.enqueue_dma source(%dma_start3A_15 : memref<79x128xi32, #tpu.memory_space<hbm>>) target(%arg8 : memref<79x128xi32, #tpu.memory_space<vmem>>) target_semaphore(%run_scoped3A : memref<!tpu.dma_semaphore, #tpu.memory_space<semaphore_mem>>)
      %dma_wait3A = arith.constant 0 : i32
      %dma_wait3A_16 = arith.constant 0 : i32
      %dma_wait3A_17 = tpu.memref_slice %arg4[%add3A, %dma_wait3A, %dma_wait3A_16] : memref<32x79x128xi32, #tpu.memory_space<hbm>> -> memref<1x79x128xi32, #tpu.memory_space<hbm>>
      %dma_wait3A_18 = tpu.memref_squeeze %dma_wait3A_17 : memref<1x79x128xi32, #tpu.memory_space<hbm>> -> memref<79x128xi32, #tpu.memory_space<hbm>>
      %dma_wait3A_19 = arith.constant 0 : i32
      %dma_wait3A_20 = arith.constant 0 : i32
      %dma_wait3A_21 = tpu.memref_slice %arg4[%add3A, %dma_wait3A_19, %dma_wait3A_20] : memref<32x79x128xi32, #tpu.memory_space<hbm>> -> memref<1x79x128xi32, #tpu.memory_space<hbm>>
      %dma_wait3A_22 = tpu.memref_squeeze %dma_wait3A_21 : memref<1x79x128xi32, #tpu.memory_space<hbm>> -> memref<79x128xi32, #tpu.memory_space<hbm>>
      tpu.wait_dma2 semaphore(%run_scoped3A : memref<!tpu.dma_semaphore, #tpu.memory_space<semaphore_mem>>) src(%dma_wait3A_22 : memref<79x128xi32, #tpu.memory_space<hbm>>) dst(%arg8 : memref<79x128xi32, #tpu.memory_space<vmem>>)
      tpu.yield
    }) : () -> ()
    %mul3A_1 = arith.constant 640 : i32
    %mul3A_2 = arith.muli %arg1, %mul3A_1 : i32
    "tpu.region"() ({
      %run_scoped3A = tpu.sem_alloc : memref<!tpu.dma_semaphore, #tpu.memory_space<semaphore_mem>>
      %dma_start3A = arith.constant 0 : i32
      %dma_start3A_9 = tpu.memref_slice %arg10[%mul3A_2, %dma_start3A] : memref<10240x128xf32, #tpu.memory_space<vmem_shared>> -> memref<640x128xf32, #tpu.memory_space<vmem_shared>>
      tpu.enqueue_dma source(%arg5 : memref<640x128xf32, #tpu.memory_space<hbm>>) target(%dma_start3A_9 : memref<640x128xf32, #tpu.memory_space<vmem_shared>>) target_semaphore(%run_scoped3A : memref<!tpu.dma_semaphore, #tpu.memory_space<semaphore_mem>>)
      %dma_wait3A = arith.constant 0 : i32
      %dma_wait3A_10 = tpu.memref_slice %arg10[%mul3A_2, %dma_wait3A] : memref<10240x128xf32, #tpu.memory_space<vmem_shared>> -> memref<640x128xf32, #tpu.memory_space<vmem_shared>>
      tpu.wait_dma2 semaphore(%run_scoped3A : memref<!tpu.dma_semaphore, #tpu.memory_space<semaphore_mem>>) src(%arg5 : memref<640x128xf32, #tpu.memory_space<hbm>>) dst(%dma_wait3A_10 : memref<640x128xf32, #tpu.memory_space<vmem_shared>>)
      tpu.yield
    }) : () -> ()
    %barrier3A = arith.constant 0 : index
    tpu.barrier barrier_id(%barrier3A)
    %scan3A = arith.constant 0 : i32
    %scan3A_3 = arith.constant 0 : i32
    %scan3A_4 = arith.constant 79 : i32
    %scan3A_5 = arith.addi %scan3A_3, %scan3A_4 : i32
    %scan3A_6 = arith.constant 1 : i32
    scf.for %scan3A_9 = %scan3A_3 to %scan3A_5 step %scan3A_6  : i32 {
      %dma_start3A = arith.constant 0 : i32
      %dma_start3A_10 = tpu.memref_slice %arg7[%scan3A_9, %dma_start3A] : memref<79x128xi32, #tpu.memory_space<vmem>> -> memref<1x128xi32, #tpu.memory_space<vmem>>
      %dma_start3A_11 = tpu.memref_squeeze %dma_start3A_10 : memref<1x128xi32, #tpu.memory_space<vmem>> -> memref<128xi32, #tpu.memory_space<vmem>>
      %dma_start3A_12 = arith.constant 0 : i32
      %dma_start3A_13 = arith.constant 0 : i32
      %dma_start3A_14 = tpu.memref_slice %arg2[%dma_start3A_12, %dma_start3A_13] : memref<10240x128xf32, #tpu.memory_space<hbm>> -> memref<10240x128xf32, #tpu.memory_space<hbm>>
      tpu.enqueue_indirect_dma source(%dma_start3A_14 : memref<10240x128xf32, #tpu.memory_space<hbm>>) target(%arg9 : memref<128x128xf32, #tpu.memory_space<vmem>>) offsets(%dma_start3A_11 : memref<128xi32, #tpu.memory_space<vmem>>) semaphore(%arg11 : memref<!tpu.dma_semaphore, #tpu.memory_space<semaphore_mem>>)
      %dma_wait3A = arith.constant 0 : i32
      %dma_wait3A_15 = tpu.memref_slice %arg7[%scan3A_9, %dma_wait3A] : memref<79x128xi32, #tpu.memory_space<vmem>> -> memref<1x128xi32, #tpu.memory_space<vmem>>
      %dma_wait3A_16 = tpu.memref_squeeze %dma_wait3A_15 : memref<1x128xi32, #tpu.memory_space<vmem>> -> memref<128xi32, #tpu.memory_space<vmem>>
      %dma_wait3A_17 = arith.constant 0 : i32
      %dma_wait3A_18 = arith.constant 0 : i32
      %dma_wait3A_19 = tpu.memref_slice %arg2[%dma_wait3A_17, %dma_wait3A_18] : memref<10240x128xf32, #tpu.memory_space<hbm>> -> memref<10240x128xf32, #tpu.memory_space<hbm>>
      tpu.wait_indirect_dma semaphore(%arg11 : memref<!tpu.dma_semaphore, #tpu.memory_space<semaphore_mem>>) src(%dma_wait3A_19 : memref<10240x128xf32, #tpu.memory_space<hbm>>) dst(%arg9 : memref<128x128xf32, #tpu.memory_space<vmem>>)
      "tpu.region"() ({
        %run_scoped3A = tpu.sem_alloc : memref<!tpu.dma_semaphore, #tpu.memory_space<semaphore_mem>>
        %dma_start3A_20 = arith.constant 0 : i32
        %dma_start3A_21 = tpu.memref_slice %arg8[%scan3A_9, %dma_start3A_20] : memref<79x128xi32, #tpu.memory_space<vmem>> -> memref<1x128xi32, #tpu.memory_space<vmem>>
        %dma_start3A_22 = tpu.memref_squeeze %dma_start3A_21 : memref<1x128xi32, #tpu.memory_space<vmem>> -> memref<128xi32, #tpu.memory_space<vmem>>
        %dma_start3A_23 = arith.constant 0 : i32
        %dma_start3A_24 = arith.constant 0 : i32
        %dma_start3A_25 = tpu.memref_slice %arg10[%dma_start3A_23, %dma_start3A_24] : memref<10240x128xf32, #tpu.memory_space<vmem_shared>> -> memref<10240x128xf32, #tpu.memory_space<vmem_shared>>
        tpu.enqueue_indirect_dma source(%arg9 : memref<128x128xf32, #tpu.memory_space<vmem>>) target(%dma_start3A_25 : memref<10240x128xf32, #tpu.memory_space<vmem_shared>>) offsets(%dma_start3A_22 : memref<128xi32, #tpu.memory_space<vmem>>) semaphore(%run_scoped3A : memref<!tpu.dma_semaphore, #tpu.memory_space<semaphore_mem>>) {add = true}
        %dma_wait3A_26 = arith.constant 0 : i32
        %dma_wait3A_27 = tpu.memref_slice %arg8[%scan3A_9, %dma_wait3A_26] : memref<79x128xi32, #tpu.memory_space<vmem>> -> memref<1x128xi32, #tpu.memory_space<vmem>>
        %dma_wait3A_28 = tpu.memref_squeeze %dma_wait3A_27 : memref<1x128xi32, #tpu.memory_space<vmem>> -> memref<128xi32, #tpu.memory_space<vmem>>
        %dma_wait3A_29 = arith.constant 0 : i32
        %dma_wait3A_30 = arith.constant 0 : i32
        %dma_wait3A_31 = tpu.memref_slice %arg10[%dma_wait3A_29, %dma_wait3A_30] : memref<10240x128xf32, #tpu.memory_space<vmem_shared>> -> memref<10240x128xf32, #tpu.memory_space<vmem_shared>>
        tpu.wait_indirect_dma semaphore(%run_scoped3A : memref<!tpu.dma_semaphore, #tpu.memory_space<semaphore_mem>>) src(%arg9 : memref<128x128xf32, #tpu.memory_space<vmem>>) dst(%dma_wait3A_31 : memref<10240x128xf32, #tpu.memory_space<vmem_shared>>)
        tpu.yield
      }) : () -> ()
    }
    %scan3A_7 = arith.constant 79 : i32
    %barrier3A_8 = arith.constant 0 : index
    tpu.barrier barrier_id(%barrier3A_8)
    "tpu.region"() ({
      %run_scoped3A = tpu.sem_alloc : memref<!tpu.dma_semaphore, #tpu.memory_space<semaphore_mem>>
      %dma_start3A = arith.constant 0 : i32
      %dma_start3A_9 = tpu.memref_slice %arg6[%arg0, %mul3A_2, %dma_start3A] : memref<2x10240x128xf32, #tpu.memory_space<hbm>> -> memref<1x640x128xf32, #tpu.memory_space<hbm>>
      %dma_start3A_10 = tpu.memref_squeeze %dma_start3A_9 : memref<1x640x128xf32, #tpu.memory_space<hbm>> -> memref<640x128xf32, #tpu.memory_space<hbm>>
      %dma_start3A_11 = arith.constant 0 : i32
      %dma_start3A_12 = tpu.memref_slice %arg10[%mul3A_2, %dma_start3A_11] : memref<10240x128xf32, #tpu.memory_space<vmem_shared>> -> memref<640x128xf32, #tpu.memory_space<vmem_shared>>
      tpu.enqueue_dma source(%dma_start3A_12 : memref<640x128xf32, #tpu.memory_space<vmem_shared>>) target(%dma_start3A_10 : memref<640x128xf32, #tpu.memory_space<hbm>>) target_semaphore(%run_scoped3A : memref<!tpu.dma_semaphore, #tpu.memory_space<semaphore_mem>>)
      %dma_wait3A = arith.constant 0 : i32
      %dma_wait3A_13 = tpu.memref_slice %arg6[%arg0, %mul3A_2, %dma_wait3A] : memref<2x10240x128xf32, #tpu.memory_space<hbm>> -> memref<1x640x128xf32, #tpu.memory_space<hbm>>
      %dma_wait3A_14 = tpu.memref_squeeze %dma_wait3A_13 : memref<1x640x128xf32, #tpu.memory_space<hbm>> -> memref<640x128xf32, #tpu.memory_space<hbm>>
      %dma_wait3A_15 = arith.constant 0 : i32
      %dma_wait3A_16 = tpu.memref_slice %arg10[%mul3A_2, %dma_wait3A_15] : memref<10240x128xf32, #tpu.memory_space<vmem_shared>> -> memref<640x128xf32, #tpu.memory_space<vmem_shared>>
      tpu.wait_dma2 semaphore(%run_scoped3A : memref<!tpu.dma_semaphore, #tpu.memory_space<semaphore_mem>>) src(%dma_wait3A_16 : memref<640x128xf32, #tpu.memory_space<vmem_shared>>) dst(%dma_wait3A_14 : memref<640x128xf32, #tpu.memory_space<hbm>>)
      tpu.yield
    }) : () -> ()
    return
  }
}

#map = affine_map<(d0, d1) -> (0, 0, 0)>
#map1 = affine_map<(d0, d1) -> (0, 0)>
module attributes {stable_mosaic.version = 14 : i64} {
  func.func @deg_k(%arg0: i32, %arg1: i32, %arg2: memref<32x79x128xi32, #tpu.memory_space<hbm>>, %arg3: memref<128x128xf32, #tpu.memory_space<hbm>>, %arg4: memref<640x128xf32, #tpu.memory_space<hbm>>, %arg5: memref<2x10240x128xf32, #tpu.memory_space<hbm>>, %arg6: memref<79x128xi32, #tpu.memory_space<vmem>>, %arg7: memref<128x128xf32, #tpu.memory_space<vmem>>, %arg8: memref<10240x128xf32, #tpu.memory_space<vmem_shared>>, %arg9: memref<!tpu.dma_semaphore, #tpu.memory_space<semaphore_mem>>) attributes {dimension_semantics = [#tpu.dimension_semantics<core_parallel>, #tpu.dimension_semantics<subcore_parallel>], iteration_bounds = array<i64: 2, 16>, scalar_prefetch = 0 : i64, scratch_operands = 4 : i64, tpu.core_type = #tpu.core_type<sc_vector_subcore>, window_params = [{transform_indices = #map}, {transform_indices = #map1}, {transform_indices = #map1}, {transform_indices = #map}]} {
    %mul3A = arith.constant 16 : i32
    %mul3A_0 = arith.muli %arg0, %mul3A : i32
    %add3A = arith.addi %mul3A_0, %arg1 : i32
    "tpu.region"() ({
      %run_scoped3A = tpu.sem_alloc : memref<!tpu.dma_semaphore, #tpu.memory_space<semaphore_mem>>
      %dma_start3A = arith.constant 0 : i32
      %dma_start3A_14 = arith.constant 0 : i32
      %dma_start3A_15 = tpu.memref_slice %arg2[%add3A, %dma_start3A, %dma_start3A_14] : memref<32x79x128xi32, #tpu.memory_space<hbm>> -> memref<1x79x128xi32, #tpu.memory_space<hbm>>
      %dma_start3A_16 = tpu.memref_squeeze %dma_start3A_15 : memref<1x79x128xi32, #tpu.memory_space<hbm>> -> memref<79x128xi32, #tpu.memory_space<hbm>>
      %dma_start3A_17 = arith.constant 0 : i32
      %dma_start3A_18 = arith.constant 0 : i32
      %dma_start3A_19 = tpu.memref_slice %arg2[%add3A, %dma_start3A_17, %dma_start3A_18] : memref<32x79x128xi32, #tpu.memory_space<hbm>> -> memref<1x79x128xi32, #tpu.memory_space<hbm>>
      %dma_start3A_20 = tpu.memref_squeeze %dma_start3A_19 : memref<1x79x128xi32, #tpu.memory_space<hbm>> -> memref<79x128xi32, #tpu.memory_space<hbm>>
      tpu.enqueue_dma source(%dma_start3A_20 : memref<79x128xi32, #tpu.memory_space<hbm>>) target(%arg6 : memref<79x128xi32, #tpu.memory_space<vmem>>) target_semaphore(%run_scoped3A : memref<!tpu.dma_semaphore, #tpu.memory_space<semaphore_mem>>)
      %dma_wait3A_21 = arith.constant 0 : i32
      %dma_wait3A_22 = arith.constant 0 : i32
      %dma_wait3A_23 = tpu.memref_slice %arg2[%add3A, %dma_wait3A_21, %dma_wait3A_22] : memref<32x79x128xi32, #tpu.memory_space<hbm>> -> memref<1x79x128xi32, #tpu.memory_space<hbm>>
      %dma_wait3A_24 = tpu.memref_squeeze %dma_wait3A_23 : memref<1x79x128xi32, #tpu.memory_space<hbm>> -> memref<79x128xi32, #tpu.memory_space<hbm>>
      %dma_wait3A_25 = arith.constant 0 : i32
      %dma_wait3A_26 = arith.constant 0 : i32
      %dma_wait3A_27 = tpu.memref_slice %arg2[%add3A, %dma_wait3A_25, %dma_wait3A_26] : memref<32x79x128xi32, #tpu.memory_space<hbm>> -> memref<1x79x128xi32, #tpu.memory_space<hbm>>
      %dma_wait3A_28 = tpu.memref_squeeze %dma_wait3A_27 : memref<1x79x128xi32, #tpu.memory_space<hbm>> -> memref<79x128xi32, #tpu.memory_space<hbm>>
      tpu.wait_dma2 semaphore(%run_scoped3A : memref<!tpu.dma_semaphore, #tpu.memory_space<semaphore_mem>>) src(%dma_wait3A_28 : memref<79x128xi32, #tpu.memory_space<hbm>>) dst(%arg6 : memref<79x128xi32, #tpu.memory_space<vmem>>)
      tpu.yield
    }) : () -> ()
    "tpu.region"() ({
      %run_scoped3A = tpu.sem_alloc : memref<!tpu.dma_semaphore, #tpu.memory_space<semaphore_mem>>
      tpu.enqueue_dma source(%arg3 : memref<128x128xf32, #tpu.memory_space<hbm>>) target(%arg7 : memref<128x128xf32, #tpu.memory_space<vmem>>) target_semaphore(%run_scoped3A : memref<!tpu.dma_semaphore, #tpu.memory_space<semaphore_mem>>)
      tpu.wait_dma2 semaphore(%run_scoped3A : memref<!tpu.dma_semaphore, #tpu.memory_space<semaphore_mem>>) src(%arg3 : memref<128x128xf32, #tpu.memory_space<hbm>>) dst(%arg7 : memref<128x128xf32, #tpu.memory_space<vmem>>)
      tpu.yield
    }) : () -> ()
    %mul3A_1 = arith.constant 640 : i32
    %mul3A_2 = arith.muli %arg1, %mul3A_1 : i32
    "tpu.region"() ({
      %run_scoped3A = tpu.sem_alloc : memref<!tpu.dma_semaphore, #tpu.memory_space<semaphore_mem>>
      %dma_start3A = arith.constant 0 : i32
      %dma_start3A_14 = tpu.memref_slice %arg8[%mul3A_2, %dma_start3A] : memref<10240x128xf32, #tpu.memory_space<vmem_shared>> -> memref<640x128xf32, #tpu.memory_space<vmem_shared>>
      tpu.enqueue_dma source(%arg4 : memref<640x128xf32, #tpu.memory_space<hbm>>) target(%dma_start3A_14 : memref<640x128xf32, #tpu.memory_space<vmem_shared>>) target_semaphore(%run_scoped3A : memref<!tpu.dma_semaphore, #tpu.memory_space<semaphore_mem>>)
      %dma_wait3A_15 = arith.constant 0 : i32
      %dma_wait3A_16 = tpu.memref_slice %arg8[%mul3A_2, %dma_wait3A_15] : memref<10240x128xf32, #tpu.memory_space<vmem_shared>> -> memref<640x128xf32, #tpu.memory_space<vmem_shared>>
      tpu.wait_dma2 semaphore(%run_scoped3A : memref<!tpu.dma_semaphore, #tpu.memory_space<semaphore_mem>>) src(%arg4 : memref<640x128xf32, #tpu.memory_space<hbm>>) dst(%dma_wait3A_16 : memref<640x128xf32, #tpu.memory_space<vmem_shared>>)
      tpu.yield
    }) : () -> ()
    %barrier3A = arith.constant 0 : index
    tpu.barrier barrier_id(%barrier3A)
    %scan3A = arith.constant 0 : i32
    %scan3A_3 = arith.constant 0 : i32
    %scan3A_4 = arith.constant 79 : i32
    %scan3A_5 = arith.addi %scan3A_3, %scan3A_4 : i32
    %scan3A_6 = arith.constant 1 : i32
    scf.for %scan3A_14 = %scan3A_3 to %scan3A_5 step %scan3A_6  : i32 {
      %dma_start3A = arith.constant 0 : i32
      %dma_start3A_15 = tpu.memref_slice %arg6[%scan3A_14, %dma_start3A] : memref<79x128xi32, #tpu.memory_space<vmem>> -> memref<1x128xi32, #tpu.memory_space<vmem>>
      %dma_start3A_16 = tpu.memref_squeeze %dma_start3A_15 : memref<1x128xi32, #tpu.memory_space<vmem>> -> memref<128xi32, #tpu.memory_space<vmem>>
      %dma_start3A_17 = arith.constant 0 : i32
      %dma_start3A_18 = arith.constant 0 : i32
      %dma_start3A_19 = tpu.memref_slice %arg8[%dma_start3A_17, %dma_start3A_18] : memref<10240x128xf32, #tpu.memory_space<vmem_shared>> -> memref<10240x128xf32, #tpu.memory_space<vmem_shared>>
      tpu.enqueue_indirect_dma source(%arg7 : memref<128x128xf32, #tpu.memory_space<vmem>>) target(%dma_start3A_19 : memref<10240x128xf32, #tpu.memory_space<vmem_shared>>) offsets(%dma_start3A_16 : memref<128xi32, #tpu.memory_space<vmem>>) semaphore(%arg9 : memref<!tpu.dma_semaphore, #tpu.memory_space<semaphore_mem>>) {add = true}
      %gt3A = arith.constant 0 : i32
      %gt3A_20 = arith.cmpi sgt, %scan3A_14, %gt3A : i32
      %convert_element_type3A = arith.extui %gt3A_20 : i1 to i32
      %cond3A = arith.constant 0 : i32
      %cond3A_21 = arith.cmpi ne, %convert_element_type3A, %cond3A : i32
      scf.if %cond3A_21 {
        %dma_wait3A_22 = arith.constant 0 : i32
        %dma_wait3A_23 = arith.constant 0 : i32
        %dma_wait3A_24 = tpu.memref_slice %arg8[%dma_wait3A_22, %dma_wait3A_23] : memref<10240x128xf32, #tpu.memory_space<vmem_shared>> -> memref<128x128xf32, #tpu.memory_space<vmem_shared>>
        %dma_wait3A_25 = arith.constant 0 : i32
        %dma_wait3A_26 = arith.constant 0 : i32
        %dma_wait3A_27 = tpu.memref_slice %arg8[%dma_wait3A_25, %dma_wait3A_26] : memref<10240x128xf32, #tpu.memory_space<vmem_shared>> -> memref<128x128xf32, #tpu.memory_space<vmem_shared>>
        tpu.wait_dma2 semaphore(%arg9 : memref<!tpu.dma_semaphore, #tpu.memory_space<semaphore_mem>>) src(%arg7 : memref<128x128xf32, #tpu.memory_space<vmem>>) dst(%dma_wait3A_27 : memref<128x128xf32, #tpu.memory_space<vmem_shared>>)
      } else {
      }
    }
    %scan3A_7 = arith.constant 79 : i32
    %dma_wait3A = arith.constant 0 : i32
    %dma_wait3A_8 = arith.constant 0 : i32
    %dma_wait3A_9 = tpu.memref_slice %arg8[%dma_wait3A, %dma_wait3A_8] : memref<10240x128xf32, #tpu.memory_space<vmem_shared>> -> memref<128x128xf32, #tpu.memory_space<vmem_shared>>
    %dma_wait3A_10 = arith.constant 0 : i32
    %dma_wait3A_11 = arith.constant 0 : i32
    %dma_wait3A_12 = tpu.memref_slice %arg8[%dma_wait3A_10, %dma_wait3A_11] : memref<10240x128xf32, #tpu.memory_space<vmem_shared>> -> memref<128x128xf32, #tpu.memory_space<vmem_shared>>
    tpu.wait_dma2 semaphore(%arg9 : memref<!tpu.dma_semaphore, #tpu.memory_space<semaphore_mem>>) src(%arg7 : memref<128x128xf32, #tpu.memory_space<vmem>>) dst(%dma_wait3A_12 : memref<128x128xf32, #tpu.memory_space<vmem_shared>>)
    %barrier3A_13 = arith.constant 0 : index
    tpu.barrier barrier_id(%barrier3A_13)
    "tpu.region"() ({
      %run_scoped3A = tpu.sem_alloc : memref<!tpu.dma_semaphore, #tpu.memory_space<semaphore_mem>>
      %dma_start3A = arith.constant 0 : i32
      %dma_start3A_14 = tpu.memref_slice %arg5[%arg0, %mul3A_2, %dma_start3A] : memref<2x10240x128xf32, #tpu.memory_space<hbm>> -> memref<1x640x128xf32, #tpu.memory_space<hbm>>
      %dma_start3A_15 = tpu.memref_squeeze %dma_start3A_14 : memref<1x640x128xf32, #tpu.memory_space<hbm>> -> memref<640x128xf32, #tpu.memory_space<hbm>>
      %dma_start3A_16 = arith.constant 0 : i32
      %dma_start3A_17 = tpu.memref_slice %arg8[%mul3A_2, %dma_start3A_16] : memref<10240x128xf32, #tpu.memory_space<vmem_shared>> -> memref<640x128xf32, #tpu.memory_space<vmem_shared>>
      tpu.enqueue_dma source(%dma_start3A_17 : memref<640x128xf32, #tpu.memory_space<vmem_shared>>) target(%dma_start3A_15 : memref<640x128xf32, #tpu.memory_space<hbm>>) target_semaphore(%run_scoped3A : memref<!tpu.dma_semaphore, #tpu.memory_space<semaphore_mem>>)
      %dma_wait3A_18 = arith.constant 0 : i32
      %dma_wait3A_19 = tpu.memref_slice %arg5[%arg0, %mul3A_2, %dma_wait3A_18] : memref<2x10240x128xf32, #tpu.memory_space<hbm>> -> memref<1x640x128xf32, #tpu.memory_space<hbm>>
      %dma_wait3A_20 = tpu.memref_squeeze %dma_wait3A_19 : memref<1x640x128xf32, #tpu.memory_space<hbm>> -> memref<640x128xf32, #tpu.memory_space<hbm>>
      %dma_wait3A_21 = arith.constant 0 : i32
      %dma_wait3A_22 = tpu.memref_slice %arg8[%mul3A_2, %dma_wait3A_21] : memref<10240x128xf32, #tpu.memory_space<vmem_shared>> -> memref<640x128xf32, #tpu.memory_space<vmem_shared>>
      tpu.wait_dma2 semaphore(%run_scoped3A : memref<!tpu.dma_semaphore, #tpu.memory_space<semaphore_mem>>) src(%dma_wait3A_22 : memref<640x128xf32, #tpu.memory_space<vmem_shared>>) dst(%dma_wait3A_20 : memref<640x128xf32, #tpu.memory_space<hbm>>)
      tpu.yield
    }) : () -> ()
    return
  }
}

#map = affine_map<(d0, d1) -> (0, 0, 0)>
#map1 = affine_map<(d0, d1) -> (0, 0)>
module attributes {stable_mosaic.version = 14 : i64} {
  func.func @deg_k(%arg0: i32, %arg1: i32, %arg2: memref<32x79x128xi32, #tpu.memory_space<hbm>>, %arg3: memref<128x128xf32, #tpu.memory_space<hbm>>, %arg4: memref<640x128xf32, #tpu.memory_space<hbm>>, %arg5: memref<2x10240x128xf32, #tpu.memory_space<hbm>>, %arg6: memref<79x128xi32, #tpu.memory_space<vmem>>, %arg7: memref<128x128xf32, #tpu.memory_space<vmem>>, %arg8: memref<10240x128xf32, #tpu.memory_space<vmem_shared>>, %arg9: memref<!tpu.dma_semaphore, #tpu.memory_space<semaphore_mem>>) attributes {dimension_semantics = [#tpu.dimension_semantics<core_parallel>, #tpu.dimension_semantics<subcore_parallel>], iteration_bounds = array<i64: 2, 16>, scalar_prefetch = 0 : i64, scratch_operands = 4 : i64, tpu.core_type = #tpu.core_type<sc_vector_subcore>, window_params = [{transform_indices = #map}, {transform_indices = #map1}, {transform_indices = #map1}, {transform_indices = #map}]} {
    %mul3A = arith.constant 16 : i32
    %mul3A_0 = arith.muli %arg0, %mul3A : i32
    %add3A = arith.addi %mul3A_0, %arg1 : i32
    "tpu.region"() ({
      %run_scoped3A = tpu.sem_alloc : memref<!tpu.dma_semaphore, #tpu.memory_space<semaphore_mem>>
      %dma_start3A = arith.constant 0 : i32
      %dma_start3A_14 = arith.constant 0 : i32
      %dma_start3A_15 = tpu.memref_slice %arg2[%add3A, %dma_start3A, %dma_start3A_14] : memref<32x79x128xi32, #tpu.memory_space<hbm>> -> memref<1x79x128xi32, #tpu.memory_space<hbm>>
      %dma_start3A_16 = tpu.memref_squeeze %dma_start3A_15 : memref<1x79x128xi32, #tpu.memory_space<hbm>> -> memref<79x128xi32, #tpu.memory_space<hbm>>
      %dma_start3A_17 = arith.constant 0 : i32
      %dma_start3A_18 = arith.constant 0 : i32
      %dma_start3A_19 = tpu.memref_slice %arg2[%add3A, %dma_start3A_17, %dma_start3A_18] : memref<32x79x128xi32, #tpu.memory_space<hbm>> -> memref<1x79x128xi32, #tpu.memory_space<hbm>>
      %dma_start3A_20 = tpu.memref_squeeze %dma_start3A_19 : memref<1x79x128xi32, #tpu.memory_space<hbm>> -> memref<79x128xi32, #tpu.memory_space<hbm>>
      tpu.enqueue_dma source(%dma_start3A_20 : memref<79x128xi32, #tpu.memory_space<hbm>>) target(%arg6 : memref<79x128xi32, #tpu.memory_space<vmem>>) target_semaphore(%run_scoped3A : memref<!tpu.dma_semaphore, #tpu.memory_space<semaphore_mem>>)
      %dma_wait3A_21 = arith.constant 0 : i32
      %dma_wait3A_22 = arith.constant 0 : i32
      %dma_wait3A_23 = tpu.memref_slice %arg2[%add3A, %dma_wait3A_21, %dma_wait3A_22] : memref<32x79x128xi32, #tpu.memory_space<hbm>> -> memref<1x79x128xi32, #tpu.memory_space<hbm>>
      %dma_wait3A_24 = tpu.memref_squeeze %dma_wait3A_23 : memref<1x79x128xi32, #tpu.memory_space<hbm>> -> memref<79x128xi32, #tpu.memory_space<hbm>>
      %dma_wait3A_25 = arith.constant 0 : i32
      %dma_wait3A_26 = arith.constant 0 : i32
      %dma_wait3A_27 = tpu.memref_slice %arg2[%add3A, %dma_wait3A_25, %dma_wait3A_26] : memref<32x79x128xi32, #tpu.memory_space<hbm>> -> memref<1x79x128xi32, #tpu.memory_space<hbm>>
      %dma_wait3A_28 = tpu.memref_squeeze %dma_wait3A_27 : memref<1x79x128xi32, #tpu.memory_space<hbm>> -> memref<79x128xi32, #tpu.memory_space<hbm>>
      tpu.wait_dma2 semaphore(%run_scoped3A : memref<!tpu.dma_semaphore, #tpu.memory_space<semaphore_mem>>) src(%dma_wait3A_28 : memref<79x128xi32, #tpu.memory_space<hbm>>) dst(%arg6 : memref<79x128xi32, #tpu.memory_space<vmem>>)
      tpu.yield
    }) : () -> ()
    "tpu.region"() ({
      %run_scoped3A = tpu.sem_alloc : memref<!tpu.dma_semaphore, #tpu.memory_space<semaphore_mem>>
      tpu.enqueue_dma source(%arg3 : memref<128x128xf32, #tpu.memory_space<hbm>>) target(%arg7 : memref<128x128xf32, #tpu.memory_space<vmem>>) target_semaphore(%run_scoped3A : memref<!tpu.dma_semaphore, #tpu.memory_space<semaphore_mem>>)
      tpu.wait_dma2 semaphore(%run_scoped3A : memref<!tpu.dma_semaphore, #tpu.memory_space<semaphore_mem>>) src(%arg3 : memref<128x128xf32, #tpu.memory_space<hbm>>) dst(%arg7 : memref<128x128xf32, #tpu.memory_space<vmem>>)
      tpu.yield
    }) : () -> ()
    %mul3A_1 = arith.constant 640 : i32
    %mul3A_2 = arith.muli %arg1, %mul3A_1 : i32
    "tpu.region"() ({
      %run_scoped3A = tpu.sem_alloc : memref<!tpu.dma_semaphore, #tpu.memory_space<semaphore_mem>>
      %dma_start3A = arith.constant 0 : i32
      %dma_start3A_14 = tpu.memref_slice %arg8[%mul3A_2, %dma_start3A] : memref<10240x128xf32, #tpu.memory_space<vmem_shared>> -> memref<640x128xf32, #tpu.memory_space<vmem_shared>>
      tpu.enqueue_dma source(%arg4 : memref<640x128xf32, #tpu.memory_space<hbm>>) target(%dma_start3A_14 : memref<640x128xf32, #tpu.memory_space<vmem_shared>>) target_semaphore(%run_scoped3A : memref<!tpu.dma_semaphore, #tpu.memory_space<semaphore_mem>>)
      %dma_wait3A_15 = arith.constant 0 : i32
      %dma_wait3A_16 = tpu.memref_slice %arg8[%mul3A_2, %dma_wait3A_15] : memref<10240x128xf32, #tpu.memory_space<vmem_shared>> -> memref<640x128xf32, #tpu.memory_space<vmem_shared>>
      tpu.wait_dma2 semaphore(%run_scoped3A : memref<!tpu.dma_semaphore, #tpu.memory_space<semaphore_mem>>) src(%arg4 : memref<640x128xf32, #tpu.memory_space<hbm>>) dst(%dma_wait3A_16 : memref<640x128xf32, #tpu.memory_space<vmem_shared>>)
      tpu.yield
    }) : () -> ()
    %barrier3A = arith.constant 0 : index
    tpu.barrier barrier_id(%barrier3A)
    %scan3A = arith.constant 0 : i32
    %scan3A_3 = arith.constant 0 : i32
    %scan3A_4 = arith.constant 79 : i32
    %scan3A_5 = arith.addi %scan3A_3, %scan3A_4 : i32
    %scan3A_6 = arith.constant 1 : i32
    scf.for %scan3A_14 = %scan3A_3 to %scan3A_5 step %scan3A_6  : i32 {
      %dma_start3A = arith.constant 0 : i32
      %dma_start3A_15 = tpu.memref_slice %arg6[%scan3A_14, %dma_start3A] : memref<79x128xi32, #tpu.memory_space<vmem>> -> memref<1x128xi32, #tpu.memory_space<vmem>>
      %dma_start3A_16 = tpu.memref_squeeze %dma_start3A_15 : memref<1x128xi32, #tpu.memory_space<vmem>> -> memref<128xi32, #tpu.memory_space<vmem>>
      %dma_start3A_17 = arith.constant 0 : i32
      %dma_start3A_18 = arith.constant 0 : i32
      %dma_start3A_19 = tpu.memref_slice %arg8[%dma_start3A_17, %dma_start3A_18] : memref<10240x128xf32, #tpu.memory_space<vmem_shared>> -> memref<10240x128xf32, #tpu.memory_space<vmem_shared>>
      tpu.enqueue_indirect_dma source(%arg7 : memref<128x128xf32, #tpu.memory_space<vmem>>) target(%dma_start3A_19 : memref<10240x128xf32, #tpu.memory_space<vmem_shared>>) offsets(%dma_start3A_16 : memref<128xi32, #tpu.memory_space<vmem>>) semaphore(%arg9 : memref<!tpu.dma_semaphore, #tpu.memory_space<semaphore_mem>>) {add = true}
      %gt3A = arith.constant 0 : i32
      %gt3A_20 = arith.cmpi sgt, %scan3A_14, %gt3A : i32
      %convert_element_type3A = arith.extui %gt3A_20 : i1 to i32
      %cond3A = arith.constant 0 : i32
      %cond3A_21 = arith.cmpi ne, %convert_element_type3A, %cond3A : i32
      scf.if %cond3A_21 {
        %dma_wait3A_22 = arith.constant 0 : i32
        %dma_wait3A_23 = arith.constant 0 : i32
        %dma_wait3A_24 = tpu.memref_slice %arg8[%dma_wait3A_22, %dma_wait3A_23] : memref<10240x128xf32, #tpu.memory_space<vmem_shared>> -> memref<128x128xf32, #tpu.memory_space<vmem_shared>>
        %dma_wait3A_25 = arith.constant 0 : i32
        %dma_wait3A_26 = arith.constant 0 : i32
        %dma_wait3A_27 = tpu.memref_slice %arg8[%dma_wait3A_25, %dma_wait3A_26] : memref<10240x128xf32, #tpu.memory_space<vmem_shared>> -> memref<128x128xf32, #tpu.memory_space<vmem_shared>>
        tpu.wait_dma2 semaphore(%arg9 : memref<!tpu.dma_semaphore, #tpu.memory_space<semaphore_mem>>) src(%arg7 : memref<128x128xf32, #tpu.memory_space<vmem>>) dst(%dma_wait3A_27 : memref<128x128xf32, #tpu.memory_space<vmem_shared>>)
      } else {
      }
    }
    %scan3A_7 = arith.constant 79 : i32
    %dma_wait3A = arith.constant 0 : i32
    %dma_wait3A_8 = arith.constant 0 : i32
    %dma_wait3A_9 = tpu.memref_slice %arg8[%dma_wait3A, %dma_wait3A_8] : memref<10240x128xf32, #tpu.memory_space<vmem_shared>> -> memref<128x128xf32, #tpu.memory_space<vmem_shared>>
    %dma_wait3A_10 = arith.constant 0 : i32
    %dma_wait3A_11 = arith.constant 0 : i32
    %dma_wait3A_12 = tpu.memref_slice %arg8[%dma_wait3A_10, %dma_wait3A_11] : memref<10240x128xf32, #tpu.memory_space<vmem_shared>> -> memref<128x128xf32, #tpu.memory_space<vmem_shared>>
    tpu.wait_dma2 semaphore(%arg9 : memref<!tpu.dma_semaphore, #tpu.memory_space<semaphore_mem>>) src(%arg7 : memref<128x128xf32, #tpu.memory_space<vmem>>) dst(%dma_wait3A_12 : memref<128x128xf32, #tpu.memory_space<vmem_shared>>)
    %barrier3A_13 = arith.constant 0 : index
    tpu.barrier barrier_id(%barrier3A_13)
    "tpu.region"() ({
      %run_scoped3A = tpu.sem_alloc : memref<!tpu.dma_semaphore, #tpu.memory_space<semaphore_mem>>
      %dma_start3A = arith.constant 0 : i32
      %dma_start3A_14 = tpu.memref_slice %arg5[%arg0, %mul3A_2, %dma_start3A] : memref<2x10240x128xf32, #tpu.memory_space<hbm>> -> memref<1x640x128xf32, #tpu.memory_space<hbm>>
      %dma_start3A_15 = tpu.memref_squeeze %dma_start3A_14 : memref<1x640x128xf32, #tpu.memory_space<hbm>> -> memref<640x128xf32, #tpu.memory_space<hbm>>
      %dma_start3A_16 = arith.constant 0 : i32
      %dma_start3A_17 = tpu.memref_slice %arg8[%mul3A_2, %dma_start3A_16] : memref<10240x128xf32, #tpu.memory_space<vmem_shared>> -> memref<640x128xf32, #tpu.memory_space<vmem_shared>>
      tpu.enqueue_dma source(%dma_start3A_17 : memref<640x128xf32, #tpu.memory_space<vmem_shared>>) target(%dma_start3A_15 : memref<640x128xf32, #tpu.memory_space<hbm>>) target_semaphore(%run_scoped3A : memref<!tpu.dma_semaphore, #tpu.memory_space<semaphore_mem>>)
      %dma_wait3A_18 = arith.constant 0 : i32
      %dma_wait3A_19 = tpu.memref_slice %arg5[%arg0, %mul3A_2, %dma_wait3A_18] : memref<2x10240x128xf32, #tpu.memory_space<hbm>> -> memref<1x640x128xf32, #tpu.memory_space<hbm>>
      %dma_wait3A_20 = tpu.memref_squeeze %dma_wait3A_19 : memref<1x640x128xf32, #tpu.memory_space<hbm>> -> memref<640x128xf32, #tpu.memory_space<hbm>>
      %dma_wait3A_21 = arith.constant 0 : i32
      %dma_wait3A_22 = tpu.memref_slice %arg8[%mul3A_2, %dma_wait3A_21] : memref<10240x128xf32, #tpu.memory_space<vmem_shared>> -> memref<640x128xf32, #tpu.memory_space<vmem_shared>>
      tpu.wait_dma2 semaphore(%run_scoped3A : memref<!tpu.dma_semaphore, #tpu.memory_space<semaphore_mem>>) src(%dma_wait3A_22 : memref<640x128xf32, #tpu.memory_space<vmem_shared>>) dst(%dma_wait3A_20 : memref<640x128xf32, #tpu.memory_space<hbm>>)
      tpu.yield
    }) : () -> ()
    return
  }
}

module attributes {stable_mosaic.version = 14 : i64} {
  func.func @_tc1_body(%arg0: i32, %arg1: memref<1024x128xf32, #tpu.memory_space<vmem>>, %arg2: memref<128x128xf32, #tpu.memory_space<vmem>>, %arg3: memref<1x128xf32, #tpu.memory_space<vmem>>, %arg4: memref<2x1024x128xf32, #tpu.memory_space<vmem>>, %arg5: memref<1024x128xf32, #tpu.memory_space<vmem>>) attributes {dimension_semantics = [#tpu.dimension_semantics<arbitrary>], iteration_bounds = array<i64: 10>, scalar_prefetch = 0 : i64, scratch_operands = 0 : i64, tpu.core_type = #tpu.core_type<tc>, window_params = [{transform_indices = @transform_0, window_bounds = array<i64: 1024, 128>}, {pipeline_mode = #tpu.pipeline_mode<synchronous>, transform_indices = @transform_1, window_bounds = array<i64: 128, 128>}, {pipeline_mode = #tpu.pipeline_mode<synchronous>, transform_indices = @transform_2, window_bounds = array<i64: 1, 128>}, {transform_indices = @transform_3, window_bounds = array<i64: 2, 1024, 128>}, {transform_indices = @transform_4, window_bounds = array<i64: 1024, 128>}]} {
    %get3A = arith.constant 0 : index
    %get3A_0 = arith.constant 0 : index
    %get3A_1 = arith.constant 0 : index
    %get3A_2 = vector.load %arg4[%get3A, %get3A_0, %get3A_1] : memref<2x1024x128xf32, #tpu.memory_space<vmem>>, vector<2x1024x128xf32>
    %slice3A = vector.extract_strided_slice %get3A_2 {offsets = [0, 0, 0], sizes = [1, 1024, 128], strides = [1, 1, 1]} : vector<2x1024x128xf32> to vector<1x1024x128xf32>
    %squeeze3A = vector.shape_cast %slice3A : vector<1x1024x128xf32> to vector<1024x128xf32>
    %slice3A_3 = vector.extract_strided_slice %get3A_2 {offsets = [1, 0, 0], sizes = [1, 1024, 128], strides = [1, 1, 1]} : vector<2x1024x128xf32> to vector<1x1024x128xf32>
    %squeeze3A_4 = vector.shape_cast %slice3A_3 : vector<1x1024x128xf32> to vector<1024x128xf32>
    %add3A = arith.addf %squeeze3A, %squeeze3A_4 : vector<1024x128xf32>
    %slice3A_5 = vector.extract_strided_slice %add3A {offsets = [0, 0], sizes = [1024, 1], strides = [1, 1]} : vector<1024x128xf32> to vector<1024x1xf32>
    %gt3A = arith.constant 0.000000e+00 : f32
    %gt3A_6 = vector.broadcast %gt3A : f32 to vector<1024x1xf32>
    %gt3A_7 = arith.cmpf ogt, %slice3A_5, %gt3A_6 : vector<1024x1xf32>
    %rsqrt3A = math.rsqrt %slice3A_5 : vector<1024x1xf32>
    %jit3A = arith.constant 0.000000e+00 : f32
    %broadcast_in_dim3A = vector.broadcast %jit3A : f32 to vector<1024x1xf32>
    %select_n3A = arith.select %gt3A_7, %rsqrt3A, %broadcast_in_dim3A : vector<1024x1xi1>, vector<1024x1xf32>
    %get3A_8 = arith.constant 0 : index
    %get3A_9 = arith.constant 0 : index
    %get3A_10 = vector.load %arg1[%get3A_8, %get3A_9] : memref<1024x128xf32, #tpu.memory_space<vmem>>, vector<1024x128xf32>
    %get3A_11 = arith.constant 0 : index
    %get3A_12 = arith.constant 0 : index
    %get3A_13 = vector.load %arg2[%get3A_11, %get3A_12] : memref<128x128xf32, #tpu.memory_space<vmem>>, vector<128x128xf32>
    %dot_general3A = arith.constant dense<0.000000e+00> : vector<1024x128xf32>
    %dot_general3A_14 = tpu.matmul %get3A_10, %get3A_13, %dot_general3A {dimension_numbers = #tpu.dot_dimension_numbers<[1], [0], [0], [1], [0, 0, 1, 1], [], []>, transpose_lhs_hint = false} : vector<1024x128xf32>, vector<128x128xf32>, vector<1024x128xf32> -> vector<1024x128xf32>
    %get3A_15 = arith.constant 0 : index
    %get3A_16 = arith.constant 0 : index
    %get3A_17 = vector.load %arg3[%get3A_15, %get3A_16] : memref<1x128xf32, #tpu.memory_space<vmem>>, vector<1x128xf32>
    %add3A_18 = vector.broadcast %get3A_17 : vector<1x128xf32> to vector<1024x128xf32>
    %add3A_19 = arith.addf %dot_general3A_14, %add3A_18 : vector<1024x128xf32>
    %mul3A = vector.broadcast %select_n3A : vector<1024x1xf32> to vector<1024x128xf32>
    %mul3A_20 = arith.mulf %add3A_19, %mul3A : vector<1024x128xf32>
    %swap3A = arith.constant 0 : index
    %swap3A_21 = arith.constant 0 : index
    %swap3A_22 = vector.load %arg5[%swap3A, %swap3A_21] : memref<1024x128xf32, #tpu.memory_space<vmem>>, vector<1024x128xf32>
    tpu.vector_store %arg5[%swap3A, %swap3A_21], %mul3A_20 {strides = array<i32>} : memref<1024x128xf32, #tpu.memory_space<vmem>>, vector<1024x128xf32>,
    return
  }
  func.func @transform_0(%arg0: i32) -> (i32, i32) {
    %c0_i32 = arith.constant 0 : i32
    %c0_i32_0 = arith.constant 0 : i32
    return %arg0, %c0_i32 : i32, i32
  }
  func.func @transform_1(%arg0: i32) -> (i32, i32) {
    %c0_i32 = arith.constant 0 : i32
    %c0_i32_0 = arith.constant 0 : i32
    %c0_i32_1 = arith.constant 0 : i32
    return %c0_i32, %c0_i32_0 : i32, i32
  }
  func.func @transform_2(%arg0: i32) -> (i32, i32) {
    %c0_i32 = arith.constant 0 : i32
    %c0_i32_0 = arith.constant 0 : i32
    %c0_i32_1 = arith.constant 0 : i32
    return %c0_i32, %c0_i32_0 : i32, i32
  }
  func.func @transform_3(%arg0: i32) -> (i32, i32, i32) {
    %c0_i32 = arith.constant 0 : i32
    %c0_i32_0 = arith.constant 0 : i32
    %c0_i32_1 = arith.constant 0 : i32
    return %c0_i32, %arg0, %c0_i32_0 : i32, i32, i32
  }
  func.func @transform_4(%arg0: i32) -> (i32, i32) {
    %c0_i32 = arith.constant 0 : i32
    %c0_i32_0 = arith.constant 0 : i32
    return %arg0, %c0_i32 : i32, i32
  }
}

module attributes {stable_mosaic.version = 14 : i64} {
  func.func @_tc2_body(%arg0: i32, %arg1: memref<2x1024x128xf32, #tpu.memory_space<vmem>>, %arg2: memref<2x1024x128xf32, #tpu.memory_space<vmem>>, %arg3: memref<2x1024x128xf32, #tpu.memory_space<vmem>>, %arg4: memref<1x128xf32, #tpu.memory_space<vmem>>, %arg5: memref<1024x128xf32, #tpu.memory_space<vmem>>) attributes {dimension_semantics = [#tpu.dimension_semantics<arbitrary>], iteration_bounds = array<i64: 10>, scalar_prefetch = 0 : i64, scratch_operands = 0 : i64, tpu.core_type = #tpu.core_type<tc>, window_params = [{transform_indices = @transform_0, window_bounds = array<i64: 2, 1024, 128>}, {transform_indices = @transform_1, window_bounds = array<i64: 2, 1024, 128>}, {transform_indices = @transform_2, window_bounds = array<i64: 2, 1024, 128>}, {pipeline_mode = #tpu.pipeline_mode<synchronous>, transform_indices = @transform_3, window_bounds = array<i64: 1, 128>}, {transform_indices = @transform_4, window_bounds = array<i64: 1024, 128>}]} {
    %get3A = arith.constant 0 : index
    %get3A_0 = arith.constant 0 : index
    %get3A_1 = arith.constant 0 : index
    %get3A_2 = vector.load %arg1[%get3A, %get3A_0, %get3A_1] : memref<2x1024x128xf32, #tpu.memory_space<vmem>>, vector<1x1024x128xf32>
    %get3A_3 = vector.shape_cast %get3A_2 : vector<1x1024x128xf32> to vector<1024x128xf32>
    %get3A_4 = arith.constant 1 : index
    %get3A_5 = arith.constant 0 : index
    %get3A_6 = arith.constant 0 : index
    %get3A_7 = vector.load %arg1[%get3A_4, %get3A_5, %get3A_6] : memref<2x1024x128xf32, #tpu.memory_space<vmem>>, vector<1x1024x128xf32>
    %get3A_8 = vector.shape_cast %get3A_7 : vector<1x1024x128xf32> to vector<1024x128xf32>
    %add3A = arith.addf %get3A_3, %get3A_8 : vector<1024x128xf32>
    %get3A_9 = arith.constant 0 : index
    %get3A_10 = arith.constant 0 : index
    %get3A_11 = arith.constant 0 : index
    %get3A_12 = vector.load %arg2[%get3A_9, %get3A_10, %get3A_11] : memref<2x1024x128xf32, #tpu.memory_space<vmem>>, vector<2x1024x128xf32>
    %slice3A = vector.extract_strided_slice %get3A_12 {offsets = [0, 0, 0], sizes = [1, 1024, 128], strides = [1, 1, 1]} : vector<2x1024x128xf32> to vector<1x1024x128xf32>
    %squeeze3A = vector.shape_cast %slice3A : vector<1x1024x128xf32> to vector<1024x128xf32>
    %slice3A_13 = vector.extract_strided_slice %get3A_12 {offsets = [1, 0, 0], sizes = [1, 1024, 128], strides = [1, 1, 1]} : vector<2x1024x128xf32> to vector<1x1024x128xf32>
    %squeeze3A_14 = vector.shape_cast %slice3A_13 : vector<1x1024x128xf32> to vector<1024x128xf32>
    %add3A_15 = arith.addf %squeeze3A, %squeeze3A_14 : vector<1024x128xf32>
    %slice3A_16 = vector.extract_strided_slice %add3A_15 {offsets = [0, 0], sizes = [1024, 1], strides = [1, 1]} : vector<1024x128xf32> to vector<1024x1xf32>
    %gt3A = arith.constant 0.000000e+00 : f32
    %gt3A_17 = vector.broadcast %gt3A : f32 to vector<1024x1xf32>
    %gt3A_18 = arith.cmpf ogt, %slice3A_16, %gt3A_17 : vector<1024x1xf32>
    %rsqrt3A = math.rsqrt %slice3A_16 : vector<1024x1xf32>
    %jit3A = arith.constant 0.000000e+00 : f32
    %broadcast_in_dim3A = vector.broadcast %jit3A : f32 to vector<1024x1xf32>
    %select_n3A = arith.select %gt3A_18, %rsqrt3A, %broadcast_in_dim3A : vector<1024x1xi1>, vector<1024x1xf32>
    %get3A_19 = arith.constant 0 : index
    %get3A_20 = arith.constant 0 : index
    %get3A_21 = arith.constant 0 : index
    %get3A_22 = vector.load %arg3[%get3A_19, %get3A_20, %get3A_21] : memref<2x1024x128xf32, #tpu.memory_space<vmem>>, vector<2x1024x128xf32>
    %slice3A_23 = vector.extract_strided_slice %get3A_22 {offsets = [0, 0, 0], sizes = [1, 1024, 128], strides = [1, 1, 1]} : vector<2x1024x128xf32> to vector<1x1024x128xf32>
    %squeeze3A_24 = vector.shape_cast %slice3A_23 : vector<1x1024x128xf32> to vector<1024x128xf32>
    %slice3A_25 = vector.extract_strided_slice %get3A_22 {offsets = [1, 0, 0], sizes = [1, 1024, 128], strides = [1, 1, 1]} : vector<2x1024x128xf32> to vector<1x1024x128xf32>
    %squeeze3A_26 = vector.shape_cast %slice3A_25 : vector<1x1024x128xf32> to vector<1024x128xf32>
    %add3A_27 = arith.addf %squeeze3A_24, %squeeze3A_26 : vector<1024x128xf32>
    %slice3A_28 = vector.extract_strided_slice %add3A_27 {offsets = [0, 0], sizes = [1024, 1], strides = [1, 1]} : vector<1024x128xf32> to vector<1024x1xf32>
    %gt3A_29 = arith.constant 0.000000e+00 : f32
    %gt3A_30 = vector.broadcast %gt3A_29 : f32 to vector<1024x1xf32>
    %gt3A_31 = arith.cmpf ogt, %slice3A_28, %gt3A_30 : vector<1024x1xf32>
    %rsqrt3A_32 = math.rsqrt %slice3A_28 : vector<1024x1xf32>
    %jit3A_33 = arith.constant 0.000000e+00 : f32
    %broadcast_in_dim3A_34 = vector.broadcast %jit3A_33 : f32 to vector<1024x1xf32>
    %select_n3A_35 = arith.select %gt3A_31, %rsqrt3A_32, %broadcast_in_dim3A_34 : vector<1024x1xi1>, vector<1024x1xf32>
    %mul3A = vector.broadcast %select_n3A_35 : vector<1024x1xf32> to vector<1024x128xf32>
    %mul3A_36 = arith.mulf %add3A, %mul3A : vector<1024x128xf32>
    %get3A_37 = arith.constant 0 : index
    %get3A_38 = arith.constant 0 : index
    %get3A_39 = vector.load %arg4[%get3A_37, %get3A_38] : memref<1x128xf32, #tpu.memory_space<vmem>>, vector<1x128xf32>
    %add3A_40 = vector.broadcast %get3A_39 : vector<1x128xf32> to vector<1024x128xf32>
    %add3A_41 = arith.addf %mul3A_36, %add3A_40 : vector<1024x128xf32>
    %max3A = arith.constant 0.000000e+00 : f32
    %max3A_42 = vector.broadcast %max3A : f32 to vector<1024x128xf32>
    %max3A_43 = arith.maximumf %add3A_41, %max3A_42 : vector<1024x128xf32>
    %mul3A_44 = vector.broadcast %select_n3A : vector<1024x1xf32> to vector<1024x128xf32>
    %mul3A_45 = arith.mulf %max3A_43, %mul3A_44 : vector<1024x128xf32>
    %swap3A = arith.constant 0 : index
    %swap3A_46 = arith.constant 0 : index
    %swap3A_47 = vector.load %arg5[%swap3A, %swap3A_46] : memref<1024x128xf32, #tpu.memory_space<vmem>>, vector<1024x128xf32>
    tpu.vector_store %arg5[%swap3A, %swap3A_46], %mul3A_45 {strides = array<i32>} : memref<1024x128xf32, #tpu.memory_space<vmem>>, vector<1024x128xf32>,
    return
  }
  func.func @transform_0(%arg0: i32) -> (i32, i32, i32) {
    %c0_i32 = arith.constant 0 : i32
    %c0_i32_0 = arith.constant 0 : i32
    %c0_i32_1 = arith.constant 0 : i32
    return %c0_i32, %arg0, %c0_i32_0 : i32, i32, i32
  }
  func.func @transform_1(%arg0: i32) -> (i32, i32, i32) {
    %c0_i32 = arith.constant 0 : i32
    %c0_i32_0 = arith.constant 0 : i32
    %c0_i32_1 = arith.constant 0 : i32
    return %c0_i32, %arg0, %c0_i32_0 : i32, i32, i32
  }
  func.func @transform_2(%arg0: i32) -> (i32, i32, i32) {
    %c0_i32 = arith.constant 0 : i32
    %c0_i32_0 = arith.constant 0 : i32
    %c0_i32_1 = arith.constant 0 : i32
    return %c0_i32, %arg0, %c0_i32_0 : i32, i32, i32
  }
  func.func @transform_3(%arg0: i32) -> (i32, i32) {
    %c0_i32 = arith.constant 0 : i32
    %c0_i32_0 = arith.constant 0 : i32
    %c0_i32_1 = arith.constant 0 : i32
    return %c0_i32, %c0_i32_0 : i32, i32
  }
  func.func @transform_4(%arg0: i32) -> (i32, i32) {
    %c0_i32 = arith.constant 0 : i32
    %c0_i32_0 = arith.constant 0 : i32
    return %arg0, %c0_i32 : i32, i32
  }
}

module attributes {stable_mosaic.version = 14 : i64} {
  func.func @_tc3_body(%arg0: i32, %arg1: memref<2x1024x128xf32, #tpu.memory_space<vmem>>, %arg2: memref<2x1024x128xf32, #tpu.memory_space<vmem>>, %arg3: memref<128x128xf32, #tpu.memory_space<vmem>>, %arg4: memref<1x128xf32, #tpu.memory_space<vmem>>, %arg5: memref<1024x128xf32, #tpu.memory_space<vmem>>) attributes {dimension_semantics = [#tpu.dimension_semantics<arbitrary>], iteration_bounds = array<i64: 10>, scalar_prefetch = 0 : i64, scratch_operands = 0 : i64, tpu.core_type = #tpu.core_type<tc>, window_params = [{transform_indices = @transform_0, window_bounds = array<i64: 2, 1024, 128>}, {transform_indices = @transform_1, window_bounds = array<i64: 2, 1024, 128>}, {pipeline_mode = #tpu.pipeline_mode<synchronous>, transform_indices = @transform_2, window_bounds = array<i64: 128, 128>}, {pipeline_mode = #tpu.pipeline_mode<synchronous>, transform_indices = @transform_3, window_bounds = array<i64: 1, 128>}, {transform_indices = @transform_4, window_bounds = array<i64: 1024, 128>}]} {
    %get3A = arith.constant 0 : index
    %get3A_0 = arith.constant 0 : index
    %get3A_1 = arith.constant 0 : index
    %get3A_2 = vector.load %arg1[%get3A, %get3A_0, %get3A_1] : memref<2x1024x128xf32, #tpu.memory_space<vmem>>, vector<1x1024x128xf32>
    %get3A_3 = vector.shape_cast %get3A_2 : vector<1x1024x128xf32> to vector<1024x128xf32>
    %get3A_4 = arith.constant 1 : index
    %get3A_5 = arith.constant 0 : index
    %get3A_6 = arith.constant 0 : index
    %get3A_7 = vector.load %arg1[%get3A_4, %get3A_5, %get3A_6] : memref<2x1024x128xf32, #tpu.memory_space<vmem>>, vector<1x1024x128xf32>
    %get3A_8 = vector.shape_cast %get3A_7 : vector<1x1024x128xf32> to vector<1024x128xf32>
    %add3A = arith.addf %get3A_3, %get3A_8 : vector<1024x128xf32>
    %get3A_9 = arith.constant 0 : index
    %get3A_10 = arith.constant 0 : index
    %get3A_11 = arith.constant 0 : index
    %get3A_12 = vector.load %arg2[%get3A_9, %get3A_10, %get3A_11] : memref<2x1024x128xf32, #tpu.memory_space<vmem>>, vector<2x1024x128xf32>
    %slice3A = vector.extract_strided_slice %get3A_12 {offsets = [0, 0, 0], sizes = [1, 1024, 128], strides = [1, 1, 1]} : vector<2x1024x128xf32> to vector<1x1024x128xf32>
    %squeeze3A = vector.shape_cast %slice3A : vector<1x1024x128xf32> to vector<1024x128xf32>
    %slice3A_13 = vector.extract_strided_slice %get3A_12 {offsets = [1, 0, 0], sizes = [1, 1024, 128], strides = [1, 1, 1]} : vector<2x1024x128xf32> to vector<1x1024x128xf32>
    %squeeze3A_14 = vector.shape_cast %slice3A_13 : vector<1x1024x128xf32> to vector<1024x128xf32>
    %add3A_15 = arith.addf %squeeze3A, %squeeze3A_14 : vector<1024x128xf32>
    %slice3A_16 = vector.extract_strided_slice %add3A_15 {offsets = [0, 0], sizes = [1024, 1], strides = [1, 1]} : vector<1024x128xf32> to vector<1024x1xf32>
    %gt3A = arith.constant 0.000000e+00 : f32
    %gt3A_17 = vector.broadcast %gt3A : f32 to vector<1024x1xf32>
    %gt3A_18 = arith.cmpf ogt, %slice3A_16, %gt3A_17 : vector<1024x1xf32>
    %rsqrt3A = math.rsqrt %slice3A_16 : vector<1024x1xf32>
    %jit3A = arith.constant 0.000000e+00 : f32
    %broadcast_in_dim3A = vector.broadcast %jit3A : f32 to vector<1024x1xf32>
    %select_n3A = arith.select %gt3A_18, %rsqrt3A, %broadcast_in_dim3A : vector<1024x1xi1>, vector<1024x1xf32>
    %mul3A = vector.broadcast %select_n3A : vector<1024x1xf32> to vector<1024x128xf32>
    %mul3A_19 = arith.mulf %add3A, %mul3A : vector<1024x128xf32>
    %get3A_20 = arith.constant 0 : index
    %get3A_21 = arith.constant 0 : index
    %get3A_22 = vector.load %arg3[%get3A_20, %get3A_21] : memref<128x128xf32, #tpu.memory_space<vmem>>, vector<128x128xf32>
    %dot_general3A = arith.constant dense<0.000000e+00> : vector<1024x128xf32>
    %dot_general3A_23 = tpu.matmul %mul3A_19, %get3A_22, %dot_general3A {dimension_numbers = #tpu.dot_dimension_numbers<[1], [0], [0], [1], [0, 0, 1, 1], [], []>, transpose_lhs_hint = false} : vector<1024x128xf32>, vector<128x128xf32>, vector<1024x128xf32> -> vector<1024x128xf32>
    %get3A_24 = arith.constant 0 : index
    %get3A_25 = arith.constant 0 : index
    %get3A_26 = vector.load %arg4[%get3A_24, %get3A_25] : memref<1x128xf32, #tpu.memory_space<vmem>>, vector<1x128xf32>
    %add3A_27 = vector.broadcast %get3A_26 : vector<1x128xf32> to vector<1024x128xf32>
    %add3A_28 = arith.addf %dot_general3A_23, %add3A_27 : vector<1024x128xf32>
    %max3A = arith.constant 0.000000e+00 : f32
    %max3A_29 = vector.broadcast %max3A : f32 to vector<1024x128xf32>
    %max3A_30 = arith.maximumf %add3A_28, %max3A_29 : vector<1024x128xf32>
    %swap3A = arith.constant 0 : index
    %swap3A_31 = arith.constant 0 : index
    %swap3A_32 = vector.load %arg5[%swap3A, %swap3A_31] : memref<1024x128xf32, #tpu.memory_space<vmem>>, vector<1024x128xf32>
    tpu.vector_store %arg5[%swap3A, %swap3A_31], %max3A_30 {strides = array<i32>} : memref<1024x128xf32, #tpu.memory_space<vmem>>, vector<1024x128xf32>,
    return
  }
  func.func @transform_0(%arg0: i32) -> (i32, i32, i32) {
    %c0_i32 = arith.constant 0 : i32
    %c0_i32_0 = arith.constant 0 : i32
    %c0_i32_1 = arith.constant 0 : i32
    return %c0_i32, %arg0, %c0_i32_0 : i32, i32, i32
  }
  func.func @transform_1(%arg0: i32) -> (i32, i32, i32) {
    %c0_i32 = arith.constant 0 : i32
    %c0_i32_0 = arith.constant 0 : i32
    %c0_i32_1 = arith.constant 0 : i32
    return %c0_i32, %arg0, %c0_i32_0 : i32, i32, i32
  }
  func.func @transform_2(%arg0: i32) -> (i32, i32) {
    %c0_i32 = arith.constant 0 : i32
    %c0_i32_0 = arith.constant 0 : i32
    %c0_i32_1 = arith.constant 0 : i32
    return %c0_i32, %c0_i32_0 : i32, i32
  }
  func.func @transform_3(%arg0: i32) -> (i32, i32) {
    %c0_i32 = arith.constant 0 : i32
    %c0_i32_0 = arith.constant 0 : i32
    %c0_i32_1 = arith.constant 0 : i32
    return %c0_i32, %c0_i32_0 : i32, i32
  }
  func.func @transform_4(%arg0: i32) -> (i32, i32) {
    %c0_i32 = arith.constant 0 : i32
    %c0_i32_0 = arith.constant 0 : i32
    return %arg0, %c0_i32 : i32, i32
  }
}

</mosaic_0001>

<sc_bundles>
// kernel: kernel.12.cloned.1.call-start
scs
__scs_entry_jumppad:
0x0: {  	(pc) =	sbr.rel $0x88, $3  }
0x1: {  	(tag) =	ssettag $0x0;
	lr =	simm.s32 $0x1  }
0x2: {  	[smem:$0x3F9A] =	sst lr;
	_ =	strace $0xD0000000  }
0x3: {  	_ = 	snop  }
0x4: {  	_ = 	snop  }
0x5: {  	_ = 	snop  }
0x6: {  	_ = 	snop  }
0x7: {  	_ = 	snop  }
__scs_overlays_trampoline_lowered:
0x8: {  	[smem:$0x3FA9] =	sst s0  }
0x9: {  	[smem:$0x3FAA] =	sst s1  }
0xa: {  	[smem:$0x3FAB] =	sst s2  }
0xb: {  	[smem:$0x3FAC] =	sst s3  }
0xc: {  	[smem:$0x3FAD] =	sst s4  }
0xd: {  	[smem:$0x3FAE] =	sst s5  }
0xe: {  	[smem:$0x3FAF] =	sst s6  }
0xf: {  	[smem:$0x3FB0] =	sst s7  }
0x10: {  	[smem:$0x3FB1] =	sst s8  }
0x11: {  	[smem:$0x3FB2] =	sst s9;
	s0 =	simm.s32 @!p0 $0x0  }
0x12: {  	s1 =	sld [smem:$0x3F98];
	s0 =	simm.s32 @p0 $0x1  }
0x13: {  	[smem:$0x3FB3] =	sst s0;
	s0 =	simm.s32 @!p1 $0x0  }
0x14: {  	s2 =	sld [smem:$0x3F97];
	s0 =	simm.s32 @p1 $0x1  }
0x15: {  	[smem:$0x3FB4] =	sst s0;
	s0 =	simm.s32 @!p2 $0x0  }
0x16: {  	s3 =	sld [smem:$0x3FDB];
	s0 =	simm.s32 @p2 $0x1  }
0x17: {  	s4 =	simm.s32 $0x1BF5;
	[smem:$0x3FB6] =	sst s0  }
0x18: {  	s0 =	sld [smem:$0x3F99];
	_ =	swait.ge [sflag:s4], $0x0  }
0x19: {  	s7 =	sld [smem:$0x3F9A]  }
0x1a: {  	s8 =	sadd.s32 $0xFFFFE003, lr  }
0x1b: {  	s9 =	sadd.s32 $0xFFFFFEF7, lr;
	s5 =	simm.s32 $0xFFFFFFFF;
	p2 =	slt.u32 s8, $0xFFFFF086  }
0x1c: {  	p1 =	slt.u32 s9, $0xF7A;
	s5 =	simm.s32 @!p2 $0x0  }
0x1d: {  	s5 =	simm.s32 @p1 $0x1;
	p0 =	seq.s32 s7, s2  }
0x1e: {  	s7 =	smul.u32 @!p0 $0xF7A, s2;
	p2 =	seq.s32 @!p0 s5, $0x0  }
0x1f: {  	s9 =	smul.u32 $0xF7A, s1;
	s8 =	simm.s32 @!p0 $0x1BF5;
	p2 =	por !p2, p0  }
0x20: {  	[sflag:s8] =	ssyncset.s32 @!p0 $0xFFFFF086;
	s6 =	sadd.s32 @!p0 s3, s7;
	s7 =	simm.s32 @!p0 $0x108  }
0x21: {  	s3 =	sadd.s32 s3, s9;
	s6 =	sadd.s32 @!p0 $0x88, s6;
	s7 =	simm.s32 @p2 $0x1082  }
0x22: {  	[simem:s7], [sflag:s8] =	dma.local @!p0 [hbm:s6], $0xF7A  }
0x23: {  	s9 =	sor.u32 $0xD0000000, s2;
	s6 =	simm.s32 $0x108;
	_ =	swait.ge @!p0 [sflag:s8], $0x0  }
0x24: {  	s3 =	sadd.s32 $0x88, s3;
	s6 =	simm.s32 @!p1 $0x1082;
	[sflag:s4] =	ssyncset.s32 $0xFFFFF086  }
0x25: {  	[simem:s6], [sflag:s4] =	dma.local [hbm:s3], $0xF7A  }
0x26: {  	[smem:$0x3F9A] =	sst s1;
	(tag) =	ssettag s2;
	_ =	strace s9  }
0x27: {  	s1 =	sld [smem:$0x3FAA]  }
0x28: {  	s2 =	sld [smem:$0x3FAB]  }
0x29: {  	s4 =	sld [smem:$0x3FAD]  }
0x2a: {  	p0 =	seq.s32 s5, $0x0;
	s5 =	sld [smem:$0x3FAE]  }
0x2b: {  	s6 =	sld [smem:$0x3FAF]  }
0x2c: {  	s7 =	sld [smem:$0x3FB0]  }
0x2d: {  	s3 =	simm.s32 $0x108;
	s8 =	sld [smem:$0x3FB1]  }
0x2e: {  	s3 =	simm.s32 @!p0 $0x1082;
	s9 =	sld [smem:$0x3FB2]  }
0x2f: {  	lr =	sadd.s32 s0, s3;
	s0 =	sld [smem:$0x3FA9]  }
0x30: {  	s3 =	sld [smem:$0x3FAC]  }
0x31: {  	[smem:$0x3FB5] =	sst s10  }
0x32: {  	s10 =	sld [smem:$0x3FB3];
	_ =	sdelay $0x3  }
0x33: {  	p0 =	seq.s32 s10, $0x1;
	s10 =	sld [smem:$0x3FB5];
	_ =	sdelay $0x3  }
0x34: {  	[smem:$0x3FB5] =	sst s10  }
0x35: {  	s10 =	sld [smem:$0x3FB4];
	_ =	sdelay $0x3  }
0x36: {  	p1 =	seq.s32 s10, $0x1;
	s10 =	sld [smem:$0x3FB5];
	_ =	sdelay $0x3  }
0x37: {  	[smem:$0x3FB5] =	sst s10  }
0x38: {  	s10 =	sld [smem:$0x3FB6]  }
0x39: {  	_ = 	snop;
	(pc) =	sbr.ind lr, $3  }
0x3a: {  	_ = 	snop  }
0x3b: {  	_ = 	snop  }
0x3c: {  	p2 =	seq.s32 s10, $0x1;
	s10 =	sld [smem:$0x3FB5]  }
0x3d: {  	_ =	shalt  }
0x3e: {  	_ =	shalt  }
0x3f: {  	_ =	shalt  }
0x40: {  	_ =	shalt  }
0x41: {  	_ =	shalt  }
0x42: {  	_ =	shalt  }
0x43: {  	_ =	shalt  }
0x44: {  	_ =	shalt  }
0x45: {  	_ =	shalt  }
0x46: {  	_ =	shalt  }
0x47: {  	_ =	shalt  }
0x48: {  	_ =	shalt  }
0x49: {  	_ =	shalt  }
0x4a: {  	_ =	shalt  }
0x4b: {  	_ =	shalt  }
0x4c: {  	_ =	shalt  }
0x4d: {  	_ =	shalt  }
0x4e: {  	_ =	shalt  }
0x4f: {  	_ =	shalt  }
0x50: {  	_ =	shalt  }
0x51: {  	_ =	shalt  }
0x52: {  	_ =	shalt  }
0x53: {  	_ =	shalt  }
0x54: {  	_ =	shalt  }
0x55: {  	_ =	shalt  }
0x56: {  	_ =	shalt  }
0x57: {  	_ =	shalt  }
0x58: {  	_ =	shalt  }
0x59: {  	_ =	shalt  }
0x5a: {  	_ =	shalt  }
0x5b: {  	_ =	shalt  }
0x5c: {  	_ =	shalt  }
0x5d: {  	_ =	shalt  }
0x5e: {  	_ =	shalt  }
0x5f: {  	_ =	shalt  }
0x60: {  	_ =	shalt  }
0x61: {  	_ =	shalt  }
0x62: {  	_ =	shalt  }
0x63: {  	_ =	shalt  }
0x64: {  	_ =	shalt  }
0x65: {  	_ =	shalt  }
0x66: {  	_ =	shalt  }
0x67: {  	_ =	shalt  }
0x68: {  	_ =	shalt  }
0x69: {  	_ =	shalt  }
0x6a: {  	_ =	shalt  }
0x6b: {  	_ =	shalt  }
0x6c: {  	_ =	shalt  }
0x6d: {  	_ =	shalt  }
0x6e: {  	_ =	shalt  }
0x6f: {  	_ =	shalt  }
0x70: {  	_ =	shalt  }
0x71: {  	_ =	shalt  }
0x72: {  	_ =	shalt  }
0x73: {  	_ =	shalt  }
0x74: {  	_ =	shalt  }
0x75: {  	_ =	shalt  }
0x76: {  	_ =	shalt  }
0x77: {  	_ =	shalt  }
0x78: {  	_ =	shalt  }
0x79: {  	_ =	shalt  }
0x7a: {  	_ =	shalt  }
0x7b: {  	_ =	shalt  }
0x7c: {  	_ =	shalt  }
0x7d: {  	_ =	shalt  }
0x7e: {  	_ =	shalt  }
0x7f: {  	_ =	shalt  }
0x80: {  	_ =	shalt  }
0x81: {  	_ =	shalt  }
0x82: {  	_ =	shalt  }
0x83: {  	_ =	shalt  }
0x84: {  	_ =	shalt  }
0x85: {  	_ =	shalt  }
0x86: {  	_ =	shalt  }
0x87: {  	_ =	shalt  }
.Lfunc_end0:
.L_simem_size_0:
called_computation.1_lowered:
.L_overlay_start_0:
0x88: {  	s2 =	sld [smem:$0x3FD9]  }
0x89: {  	s3 =	sld [smem:$0x3FFE];
	_ =	sdelay $0x1  }
0x8a: {  	s1 =	srdreg.scid  }
0x8b: {  	s0 =	sand.u32 $0x1, s1  }
0x8c: {  	s17 =	sshll.u32 s0, $0xA;
	s2 =	sadd.s32 s3, s2  }
0x8d: {  	s2 =	sadd.s32 s2, s17  }
0x8e: {  	[smem:$0x3FC1] =	sst s2  }
0x8f: {  	_ = 	snop  }
0x90: {  	(tm) =	ssettm $0x1  }
0x91: {  	s18 =	sld [smem:$0x3FFB];
	_ =	sdelay $0x3  }
0x92: {  	_ =	strace s18  }
0x93: {  	s2 =	sld [smem:$0x3FFC];
	_ =	sdelay $0x3  }
0x94: {  	_ =	strace s2  }
0x95: {  	s2 =	sld [smem:$0x3FFD];
	_ =	sdelay $0x3  }
0x96: {  	_ =	strace s2  }
0x97: {  	_ =	strace $0x8FFFFFFF  }
0x98: {  	s19 =	sld [smem:$0x3FDB];
	_ =	sdelay $0x1  }
0x99: {  	s20 =	simm.s32 $_scs_section_size  }
0x9a: {  	s4 =	simm.s32 $_size__tile_overlayer_lowered;
	s5 =	simm.s32 $_tile_overlayer_lowered  }
0x9b: {  	s6 =	simm.s32 $0x1BFF;
	s21 =	sshll.u32 s5, $0x1;
	s3 =	sadd.s32 s20, s19  }
0x9c: {  	s22 =	simm.s32 $0x0;
	s4 =	sshll.u32 s4, $0x1;
	s5 =	sadd.s32 s21, s3  }
0x9d: {  	[timem:s22], [sflag:s6] =	dma.local [hbm:s5], s4  }
0x9e: {  	_ =	swait.ge [sflag:s6], s4  }
0x9f: {  	s4 =	ssub.s32 $0x0, s4;
	[sflag:s6] =	ssyncset.done $0x0  }
0xa0: {  	[sflag:s6] =	ssyncadd.s32 s4;
	_ =	sdelay $0x1  }
0xa1: {  	s23 =	simm.s32 $0x1B8B  }
0xa2: {  	_ =	swait.ge [sflag:s23], $0x1  }
0xa3: {  	[sflag:s23] =	ssyncset.done $0x0  }
0xa4: {  	[sflag:s23] =	ssyncadd.s32 $0xFFFFFFFF  }
0xa5: {  	s4 =	sld [smem:$0x0]  }
0xa6: {  	s5 =	sand.u32 $0xFFFFFFFE, s1  }
0xa7: {  	p0 =	sne.s32 s1, s5  }
0xa8: {  	s5 =	sshll.u32 @p0 s5, $0xE  }
0xa9: {  	s5 =	sadd.s32 @p0 $0x11B8D, s5;
	s6 =	sshll.u32 @p0 s4, $0x11  }
0xaa: {  	s5 =	sor.u32 @p0 s6, s5  }
0xab: {  	[sflag:s5] =	ssyncadd.remote.s32 @p0 $0x1;
	_ =	sdelay $0x1  }
0xac: {  	s5 =	simm.s32 @p0 $0x1B8D  }
0xad: {  	_ =	swait.eq @p0 [sflag:s5], $0x1  }
0xae: {  	[sflag:s5] =	ssyncadd.s32 @p0 $0xFFFFFFFF  }
0xaf: {  	s6 =	sshll.u32 @!p0 s1, $0xE  }
0xb0: {  	s6 =	sor.u32 @!p0 $0x4000, s6;
	s5 =	simm.s32 @!p0 $0x1B8D  }
0xb1: {  	s4 =	sshll.u32 @!p0 s4, $0x11;
	s6 =	sadd.s32 @!p0 $0x11B8D, s6;
	_ =	swait.eq @!p0 [sflag:s5], $0x1  }
0xb2: {  	s4 =	sor.u32 @!p0 s4, s6;
	[sflag:s5] =	ssyncadd.s32 @!p0 $0xFFFFFFFF  }
0xb3: {  	s25 =	simm.s32 $0x1B8E;
	s24 =	sld [smem:$0x3FFE];
	[sflag:s4] =	ssyncadd.remote.s32 @!p0 $0x1  }
0xb4: {  	s26 =	simm.s32 $execute0_lowered;
	[smem:$0x3FD2] =	sst s25  }
0xb5: {  	s5 =	sshll.u32 s26, $0x1;
	_ =	strace $0x80000049;
	[dreg:$0x1] =	wrdreg $0xFFFFFFFF  }
0xb6: {  	s28 =	simm.s32 $_size_execute0_lowered;
	s3 =	sadd.s32 s3, s5;
	[dreg:$0x0] =	wrdreg $0x0  }
0xb7: {  	s5 =	sshll.u32 s28, $0x1;
	[dreg:$0x2] =	wrdreg s3  }
0xb8: {  	[dreg:$0x3] =	wrdreg s5  }
0xb9: {  	[dreg:$0x4] =	wrdreg $0xC0  }
0xba: {  	_ =	task [dreg:s22], $0x5FFFF  }
0xbb: {  	[dreg:$0x1] =	wrdreg $0xFFFFFFFF  }
0xbc: {  	[dreg:$0x0] =	wrdreg $0x60  }
0xbd: {  	[dreg:$0x2] =	wrdreg s24  }
0xbe: {  	[dreg:$0x3] =	wrdreg $0x68000  }
0xbf: {  	[dreg:$0x4] =	wrdreg $0x9  }
0xc0: {  	_ =	task.clear_ibuf [dreg:s22], $0x5FFFF;
	_ =	strace $0x90000049  }
0xc1: {  	s29 =	simm.s32 $0x9;
	_ =	strace $0x8000004B  }
0xc2: {  	_ =	swait.ge [sflag:s29], $0x1  }
0xc3: {  	[sflag:s29] =	ssyncadd.s32 $0xFFFFFFFF  }
0xc4: {  	_ =	strace $0x9000004B  }
0xc5: {  	_ =	sfence  }
0xc6: {  	s30 =	sld [smem:$0x0];
	_ =	sdelay $0x2  }
0xc7: {  	s31 =	sshll.u32 s1, $0xD;
	s1 =	sshrl.u32 s1, $0x2  }
0xc8: {  	s4 =	sand.u32 $0x4000, s31;
	s1 =	sadd.s32 s1, s30  }
0xc9: {  	s0 =	sor.u32 s4, s0;
	s1 =	sshll.u32 s1, $0x11  }
0xca: {  	s0 =	sor.u32 s1, s0  }
0xcb: {  	s0 =	sadd.s32 $0x8F2B, s0  }
0xcc: {  	[sflag:s0] =	ssyncadd.remote.s32 $0x1  }
0xcd: {  	_ =	sfence.sel $0xFFFF  }
0xce: {  	[dreg:$0x0] =	wrdreg $0xFFFFFFFF;
	(pc) =	sbr.abs _section_cstart, $3  }
0xcf: {  	[dreg:$0x1] =	wrdreg $0xFFFFFFFF  }
0xd0: {  	_ =	task.clear_ibuf [dreg:s22], $0x2FFFF;
	_ =	strace $0x9FFFFFFF  }
0xd1: {  	(tm) =	ssettm $0x7FFFFFFF  }
tec
execute0_lowered:
.L_overlay_start_1:
0x0: {  	(tag) =	ssettag $0x1  }
0x1: {  	s6 =	rddreg [dreg:$0x0]  }
0x2: {  	s0 =	srdreg.scid;
	s2 =	rddreg [dreg:$0x1];
	s3 =	simm.s32 $0x0  }
0x3: {  	s13 =	simm.s32 $0x80;
	s14 =	simm.s32 $0x1;
	s5 =	sand.u32 $0x1, s0  }
0x4: {  	s15 =	simm.s32 $0x0;
	s0 =	stileid.u32;
	s7 =	smul.u32 $0x140000, s5  }
0x5: {  	[smem:$0x7FF] =	sst s3;
	s1 =	sshll.u32 s5, $0x4;
	s8 =	smul.u32 $0x14000, s0  }
0x6: {  	s30 =	ssub.s32 $0x2, s5;
	s10 =	smul.u32 $0x50000, s0;
	s5 =	sadd.s32 $0x3200, s6  }
0x7: {  	s31 =	sshll.u32 s0, $0x6;
	s1 =	sor.u32 s0, s1;
	s11 =	sshrl.u32 s30, $0x1  }
0x8: {  	s4 =	smul.u32 $0x500, s1;
	s1 =	rddreg [dreg:$0x2];
	_ =	strace $0x8000004A  }
0x9: {  	s7 =	sadd.s32 s8, s7;
	s8 =	ssub.s32 s30, s11;
	s10 =	sshrl.u32 s10, $0x2  }
0xa: {  	s11 =	sor.u32 $0x1C02, s31;
	s7 =	sshrl.u32 s7, $0x3;
	s12 =	sadd.s32 s10, s2  }
0xb: {  	s8 =	smax.u32 s8, $0x1;
	s10 =	simm.s32 $0x2800;
	s9 =	sadd.s32 s4, s6  }
0xc: {  	s4 =	sadd.s32 $0x2A00, s6;
	s7 =	sadd.s32 s7, s6;
	s12 =	sshrl.u32 s12, $0x3  }
0xd: {  	s6 =	sadd.s32 $0x55A00, s9;
	s7 =	sadd.s32 $0x5FA00, s7;
	s9 =	simm.s32 $0x2  }
.LBB2_1:
0xe: {  	[tilespmem:s3], [sflag:$0x2] =	stream.linear.gather [hbm4b:s6+s3], $0x2780, $0x38;
	[tilespmem:$0x1A800] =	vst v63  }
0xf: {  	_ =	swait.ge [sflag:s9], $0x2780  }
0x10: {  	[sflag:s9] =	ssyncset.done $0x0  }
0x11: {  	[sflag:s9] =	ssyncadd.s32 $0xFFFFD880  }
0x12: {  	[tilespmem:s10], [sflag:$0x2] =	stream.linear.gather [hbm4b:s4+s3], $0x4000, $0x38;
	[tilespmem:$0x1A800] =	vst v63  }
0x13: {  	_ =	swait.ge [sflag:s9], $0x4000  }
0x14: {  	[sflag:s9] =	ssyncset.done $0x0  }
0x15: {  	[sflag:s9] =	ssyncadd.s32 $0xFFFFC000  }
0x16: {  	[spmem:s12], [sflag:s11] =	dma.local [hbm:s5], $0x2800  }
0x17: {  	_ =	swait.ge [sflag:s9], $0x2800  }
0x18: {  	[sflag:s9] =	ssyncset.done $0x0  }
0x19: {  	[sflag:s9] =	ssyncadd.s32 $0xFFFFD800  }
0x1a: {  	[bflag:$0x0] =	sbarrier.arrive $0xFFFF  }
0x1b: {  	[spmem:s2] =	stream.indirect.scatter.add.f32 [tilespmem:s10], [sflag:$0x1], $0x80, s3, s13, $0xb8;
	[tilespmem:$0x1A800] =	vst v63  }
0x1c: {  	s16 =	simm.s32 $0x80  }
0x1d: {  	[spmem:s2] =	stream.indirect.scatter.add.f32 [tilespmem:s10], [sflag:$0x1], $0x80, s16, s13, $0xb8;
	[tilespmem:$0x1A800] =	vst v63  }
0x1e: {  	_ =	swait.ge [sflag:s14], $0x4000  }
0x1f: {  	s16 =	simm.s32 $0x400;
	[sflag:s14] =	ssyncset.done $0x0  }
.LBB2_2:
0x20: {  	s17 =	sshra.s32 s16, $0x2;
	[sflag:s14] =	ssyncadd.s32 $0xFFFFC000;
	p0 =	sne.s32 s16, $0x9C00  }
0x21: {  	[spmem:s2] =	stream.indirect.scatter.add.f32 [tilespmem:s10], [sflag:$0x1], $0x80, s17, s13, $0xb8;
	[tilespmem:$0x1A800] =	vst v63  }
.Ltmp0:
0x22: {  	_ = 	snop;
	(pc) =	sbr.rel @p0 .LBB2_2-.Ltmp0, $4  }
0x23: {  	_ = 	snop  }
0x24: {  	s16 =	sadd.s32 $0x200, s16  }
0x25: {  	_ =	swait.ge [sflag:s14], $0x4000  }
0x26: {  	[sflag:s14] =	ssyncset.done $0x0  }
0x27: {  	[sflag:s14] =	ssyncadd.s32 $0xFFFFC000  }
0x28: {  	_ =	swait.ge [sflag:s14], $0x4000  }
0x29: {  	s15 =	sadd.s32 $0x1, s15;
	[sflag:s14] =	ssyncset.done $0x0  }
0x2a: {  	p0 =	sne.s32 s15, s8;
	[sflag:s14] =	ssyncadd.s32 $0xFFFFC000  }
.Ltmp1:
0x2b: {  	[bflag:$0x0] =	sbarrier.arrive $0xFFFF;
	(pc) =	sbr.rel @p0 .LBB2_1-.Ltmp1, $4  }
0x2c: {  	[hbm:s7], [sflag:s11] =	dma.local [spmem:s12], $0x2800  }
0x2d: {  	_ =	swait.ge [sflag:s9], $0x2800  }
0x2e: {  	[sflag:s9] =	ssyncset.done $0x0  }
0x2f: {  	[sflag:s9] =	ssyncadd.s32 $0xFFFFD800  }
0x30: {  	_ =	sfence.sel $0x180000  }
0x31: {  	[bflag:$0x0] =	sbarrier.arrive $0xFFFF  }
0x32: {  	p0 =	sne.s32 s0, $0x0;
	_ =	strace $0x9000004A  }
0x33: {  	s0 =	sadd.s32 @!p0 $0x100000, s1;
	[bflag:$0x2] =	sbarrier.arrive $0xFFFF  }
0x34: {  	[sflag:s0] =	ssyncadd.tile.s32 @!p0 $0x1;
	_ =	shalt  }
.Lfunc_end2:
_tile_overlayer_lowered:
.L_overlay_start_2:
0x35: {  	(tag) =	ssettag $0x2  }
0x36: {  	s0 =	rddreg [dreg:$0x0];
	s2 =	stileid.u32  }
0x37: {  	s1 =	rddreg [dreg:$0x1];
	p0 =	sne.s32 s2, $0x0  }
0x38: {  	s3 =	rddreg [dreg:$0x2];
	[bflag:$0x3] =	sbarrier.arrive $0xFFFF;
	s2 =	simm.s32 @!p0 $0x1C02  }
0x39: {  	[timem:s3], [sflag:s2] =	dma.local @!p0 [hbm:s0], s1  }
0x3a: {  	s0 =	simm.s32 @!p0 $0x2  }
0x3b: {  	_ =	swait.ge @!p0 [sflag:s0], s1  }
0x3c: {  	s1 =	ssub.s32 @!p0 $0x0, s1;
	[sflag:s0] =	ssyncset.done @!p0 $0x0  }
0x3d: {  	[sflag:s0] =	ssyncadd.s32 @!p0 s1  }
0x3e: {  	[bflag:$0x3] =	sbarrier.arrive $0xFFFF  }
0x3f: {  	_ =	shalt  }

// kernel: kernel.15.cloned.1.call-start
scs
__scs_entry_jumppad:
0x0: {  	(pc) =	sbr.rel $0x88, $3  }
0x1: {  	(tag) =	ssettag $0x0;
	lr =	simm.s32 $0x1  }
0x2: {  	[smem:$0x3F9A] =	sst lr;
	_ =	strace $0xD0000000  }
0x3: {  	_ = 	snop  }
0x4: {  	_ = 	snop  }
0x5: {  	_ = 	snop  }
0x6: {  	_ = 	snop  }
0x7: {  	_ = 	snop  }
__scs_overlays_trampoline_lowered:
0x8: {  	[smem:$0x3FA9] =	sst s0  }
0x9: {  	[smem:$0x3FAA] =	sst s1  }
0xa: {  	[smem:$0x3FAB] =	sst s2  }
0xb: {  	[smem:$0x3FAC] =	sst s3  }
0xc: {  	[smem:$0x3FAD] =	sst s4  }
0xd: {  	[smem:$0x3FAE] =	sst s5  }
0xe: {  	[smem:$0x3FAF] =	sst s6  }
0xf: {  	[smem:$0x3FB0] =	sst s7  }
0x10: {  	[smem:$0x3FB1] =	sst s8  }
0x11: {  	[smem:$0x3FB2] =	sst s9;
	s0 =	simm.s32 @!p0 $0x0  }
0x12: {  	s1 =	sld [smem:$0x3F98];
	s0 =	simm.s32 @p0 $0x1  }
0x13: {  	[smem:$0x3FB3] =	sst s0;
	s0 =	simm.s32 @!p1 $0x0  }
0x14: {  	s2 =	sld [smem:$0x3F97];
	s0 =	simm.s32 @p1 $0x1  }
0x15: {  	[smem:$0x3FB4] =	sst s0;
	s0 =	simm.s32 @!p2 $0x0  }
0x16: {  	s3 =	sld [smem:$0x3FDB];
	s0 =	simm.s32 @p2 $0x1  }
0x17: {  	s4 =	simm.s32 $0x1BF5;
	[smem:$0x3FB6] =	sst s0  }
0x18: {  	s0 =	sld [smem:$0x3F99];
	_ =	swait.ge [sflag:s4], $0x0  }
0x19: {  	s7 =	sld [smem:$0x3F9A]  }
0x1a: {  	s8 =	sadd.s32 $0xFFFFE003, lr  }
0x1b: {  	s9 =	sadd.s32 $0xFFFFFEF7, lr;
	s5 =	simm.s32 $0xFFFFFFFF;
	p2 =	slt.u32 s8, $0xFFFFF086  }
0x1c: {  	p1 =	slt.u32 s9, $0xF7A;
	s5 =	simm.s32 @!p2 $0x0  }
0x1d: {  	s5 =	simm.s32 @p1 $0x1;
	p0 =	seq.s32 s7, s2  }
0x1e: {  	s7 =	smul.u32 @!p0 $0xF7A, s2;
	p2 =	seq.s32 @!p0 s5, $0x0  }
0x1f: {  	s9 =	smul.u32 $0xF7A, s1;
	s8 =	simm.s32 @!p0 $0x1BF5;
	p2 =	por !p2, p0  }
0x20: {  	[sflag:s8] =	ssyncset.s32 @!p0 $0xFFFFF086;
	s6 =	sadd.s32 @!p0 s3, s7;
	s7 =	simm.s32 @!p0 $0x108  }
0x21: {  	s3 =	sadd.s32 s3, s9;
	s6 =	sadd.s32 @!p0 $0x88, s6;
	s7 =	simm.s32 @p2 $0x1082  }
0x22: {  	[simem:s7], [sflag:s8] =	dma.local @!p0 [hbm:s6], $0xF7A  }
0x23: {  	s9 =	sor.u32 $0xD0000000, s2;
	s6 =	simm.s32 $0x108;
	_ =	swait.ge @!p0 [sflag:s8], $0x0  }
0x24: {  	s3 =	sadd.s32 $0x88, s3;
	s6 =	simm.s32 @!p1 $0x1082;
	[sflag:s4] =	ssyncset.s32 $0xFFFFF086  }
0x25: {  	[simem:s6], [sflag:s4] =	dma.local [hbm:s3], $0xF7A  }
0x26: {  	[smem:$0x3F9A] =	sst s1;
	(tag) =	ssettag s2;
	_ =	strace s9  }
0x27: {  	s1 =	sld [smem:$0x3FAA]  }
0x28: {  	s2 =	sld [smem:$0x3FAB]  }
0x29: {  	s4 =	sld [smem:$0x3FAD]  }
0x2a: {  	p0 =	seq.s32 s5, $0x0;
	s5 =	sld [smem:$0x3FAE]  }
0x2b: {  	s6 =	sld [smem:$0x3FAF]  }
0x2c: {  	s7 =	sld [smem:$0x3FB0]  }
0x2d: {  	s3 =	simm.s32 $0x108;
	s8 =	sld [smem:$0x3FB1]  }
0x2e: {  	s3 =	simm.s32 @!p0 $0x1082;
	s9 =	sld [smem:$0x3FB2]  }
0x2f: {  	lr =	sadd.s32 s0, s3;
	s0 =	sld [smem:$0x3FA9]  }
0x30: {  	s3 =	sld [smem:$0x3FAC]  }
0x31: {  	[smem:$0x3FB5] =	sst s10  }
0x32: {  	s10 =	sld [smem:$0x3FB3];
	_ =	sdelay $0x3  }
0x33: {  	p0 =	seq.s32 s10, $0x1;
	s10 =	sld [smem:$0x3FB5];
	_ =	sdelay $0x3  }
0x34: {  	[smem:$0x3FB5] =	sst s10  }
0x35: {  	s10 =	sld [smem:$0x3FB4];
	_ =	sdelay $0x3  }
0x36: {  	p1 =	seq.s32 s10, $0x1;
	s10 =	sld [smem:$0x3FB5];
	_ =	sdelay $0x3  }
0x37: {  	[smem:$0x3FB5] =	sst s10  }
0x38: {  	s10 =	sld [smem:$0x3FB6]  }
0x39: {  	_ = 	snop;
	(pc) =	sbr.ind lr, $3  }
0x3a: {  	_ = 	snop  }
0x3b: {  	_ = 	snop  }
0x3c: {  	p2 =	seq.s32 s10, $0x1;
	s10 =	sld [smem:$0x3FB5]  }
0x3d: {  	_ =	shalt  }
0x3e: {  	_ =	shalt  }
0x3f: {  	_ =	shalt  }
0x40: {  	_ =	shalt  }
0x41: {  	_ =	shalt  }
0x42: {  	_ =	shalt  }
0x43: {  	_ =	shalt  }
0x44: {  	_ =	shalt  }
0x45: {  	_ =	shalt  }
0x46: {  	_ =	shalt  }
0x47: {  	_ =	shalt  }
0x48: {  	_ =	shalt  }
0x49: {  	_ =	shalt  }
0x4a: {  	_ =	shalt  }
0x4b: {  	_ =	shalt  }
0x4c: {  	_ =	shalt  }
0x4d: {  	_ =	shalt  }
0x4e: {  	_ =	shalt  }
0x4f: {  	_ =	shalt  }
0x50: {  	_ =	shalt  }
0x51: {  	_ =	shalt  }
0x52: {  	_ =	shalt  }
0x53: {  	_ =	shalt  }
0x54: {  	_ =	shalt  }
0x55: {  	_ =	shalt  }
0x56: {  	_ =	shalt  }
0x57: {  	_ =	shalt  }
0x58: {  	_ =	shalt  }
0x59: {  	_ =	shalt  }
0x5a: {  	_ =	shalt  }
0x5b: {  	_ =	shalt  }
0x5c: {  	_ =	shalt  }
0x5d: {  	_ =	shalt  }
0x5e: {  	_ =	shalt  }
0x5f: {  	_ =	shalt  }
0x60: {  	_ =	shalt  }
0x61: {  	_ =	shalt  }
0x62: {  	_ =	shalt  }
0x63: {  	_ =	shalt  }
0x64: {  	_ =	shalt  }
0x65: {  	_ =	shalt  }
0x66: {  	_ =	shalt  }
0x67: {  	_ =	shalt  }
0x68: {  	_ =	shalt  }
0x69: {  	_ =	shalt  }
0x6a: {  	_ =	shalt  }
0x6b: {  	_ =	shalt  }
0x6c: {  	_ =	shalt  }
0x6d: {  	_ =	shalt  }
0x6e: {  	_ =	shalt  }
0x6f: {  	_ =	shalt  }
0x70: {  	_ =	shalt  }
0x71: {  	_ =	shalt  }
0x72: {  	_ =	shalt  }
0x73: {  	_ =	shalt  }
0x74: {  	_ =	shalt  }
0x75: {  	_ =	shalt  }
0x76: {  	_ =	shalt  }
0x77: {  	_ =	shalt  }
0x78: {  	_ =	shalt  }
0x79: {  	_ =	shalt  }
0x7a: {  	_ =	shalt  }
0x7b: {  	_ =	shalt  }
0x7c: {  	_ =	shalt  }
0x7d: {  	_ =	shalt  }
0x7e: {  	_ =	shalt  }
0x7f: {  	_ =	shalt  }
0x80: {  	_ =	shalt  }
0x81: {  	_ =	shalt  }
0x82: {  	_ =	shalt  }
0x83: {  	_ =	shalt  }
0x84: {  	_ =	shalt  }
0x85: {  	_ =	shalt  }
0x86: {  	_ =	shalt  }
0x87: {  	_ =	shalt  }
.Lfunc_end0:
.L_simem_size_0:
called_computation.2_lowered:
.L_overlay_start_0:
0x88: {  	s2 =	sld [smem:$0x3FD9]  }
0x89: {  	s3 =	sld [smem:$0x3FFE];
	_ =	sdelay $0x1  }
0x8a: {  	s1 =	srdreg.scid  }
0x8b: {  	s0 =	sand.u32 $0x1, s1  }
0x8c: {  	s17 =	sshll.u32 s0, $0xA;
	s2 =	sadd.s32 s3, s2  }
0x8d: {  	s2 =	sadd.s32 s2, s17  }
0x8e: {  	[smem:$0x3FC1] =	sst s2  }
0x8f: {  	_ = 	snop  }
0x90: {  	s18 =	sld [smem:$0x3FD0];
	(tm) =	ssettm $0x1  }
0x91: {  	s19 =	sld [smem:$0x3FFB];
	_ =	sdelay $0x3  }
0x92: {  	_ =	strace s19  }
0x93: {  	s2 =	sld [smem:$0x3FFC];
	_ =	sdelay $0x3  }
0x94: {  	_ =	strace s2  }
0x95: {  	s2 =	sld [smem:$0x3FFD];
	_ =	sdelay $0x3  }
0x96: {  	_ =	strace s2  }
0x97: {  	_ =	strace $0x8FFFFFFF  }
0x98: {  	s20 =	sld [smem:$0x3FDB];
	_ =	sdelay $0x1  }
0x99: {  	s4 =	simm.s32 $_scs_section_size  }
0x9a: {  	s5 =	simm.s32 $_size__tile_overlayer_lowered;
	s6 =	simm.s32 $_tile_overlayer_lowered  }
0x9b: {  	s7 =	simm.s32 $0x1BFF;
	s21 =	sshll.u32 s6, $0x1;
	s4 =	sadd.s32 s4, s20  }
0x9c: {  	s22 =	simm.s32 $0x0;
	s5 =	sshll.u32 s5, $0x1;
	s6 =	sadd.s32 s21, s4  }
0x9d: {  	[timem:s22], [sflag:s7] =	dma.local [hbm:s6], s5  }
0x9e: {  	_ =	swait.ge [sflag:s7], s5  }
0x9f: {  	s5 =	ssub.s32 $0x0, s5;
	[sflag:s7] =	ssyncset.done $0x0  }
0xa0: {  	[sflag:s7] =	ssyncadd.s32 s5;
	_ =	sdelay $0x1  }
0xa1: {  	s23 =	simm.s32 $0x1B8B  }
0xa2: {  	_ =	swait.ge [sflag:s23], $0x1  }
0xa3: {  	[sflag:s23] =	ssyncset.done $0x0  }
0xa4: {  	[sflag:s23] =	ssyncadd.s32 $0xFFFFFFFF  }
0xa5: {  	s5 =	sld [smem:$0x0]  }
0xa6: {  	s6 =	sand.u32 $0xFFFFFFFE, s1  }
0xa7: {  	p0 =	sne.s32 s1, s6  }
0xa8: {  	s6 =	sshll.u32 @p0 s6, $0xE  }
0xa9: {  	s6 =	sadd.s32 @p0 $0x11B8D, s6;
	s7 =	sshll.u32 @p0 s5, $0x11  }
0xaa: {  	s6 =	sor.u32 @p0 s7, s6  }
0xab: {  	[sflag:s6] =	ssyncadd.remote.s32 @p0 $0x1;
	_ =	sdelay $0x1  }
0xac: {  	s6 =	simm.s32 @p0 $0x1B8D  }
0xad: {  	_ =	swait.eq @p0 [sflag:s6], $0x1  }
0xae: {  	[sflag:s6] =	ssyncadd.s32 @p0 $0xFFFFFFFF  }
0xaf: {  	s7 =	sshll.u32 @!p0 s1, $0xE  }
0xb0: {  	s7 =	sor.u32 @!p0 $0x4000, s7;
	s6 =	simm.s32 @!p0 $0x1B8D  }
0xb1: {  	s5 =	sshll.u32 @!p0 s5, $0x11;
	s7 =	sadd.s32 @!p0 $0x11B8D, s7;
	_ =	swait.eq @!p0 [sflag:s6], $0x1  }
0xb2: {  	s5 =	sor.u32 @!p0 s5, s7;
	[sflag:s6] =	ssyncadd.s32 @!p0 $0xFFFFFFFF  }
0xb3: {  	s25 =	simm.s32 $0x1B8E;
	s24 =	sld [smem:$0x3FFE];
	[sflag:s5] =	ssyncadd.remote.s32 @!p0 $0x1  }
0xb4: {  	s26 =	simm.s32 $execute0_lowered;
	[smem:$0x3FD2] =	sst s25  }
0xb5: {  	s6 =	sshll.u32 s26, $0x1;
	_ =	strace $0x8000004C;
	[dreg:$0x1] =	wrdreg $0xFFFFFFFF  }
0xb6: {  	s28 =	simm.s32 $_size_execute0_lowered;
	s4 =	sadd.s32 s4, s6;
	[dreg:$0x0] =	wrdreg $0x0  }
0xb7: {  	s6 =	sshll.u32 s28, $0x1;
	[dreg:$0x2] =	wrdreg s4  }
0xb8: {  	[dreg:$0x3] =	wrdreg s6  }
0xb9: {  	[dreg:$0x4] =	wrdreg $0xC0  }
0xba: {  	_ =	task [dreg:s22], $0x5FFFF  }
0xbb: {  	[dreg:$0x1] =	wrdreg $0xFFFFFFFF  }
0xbc: {  	[dreg:$0x0] =	wrdreg $0x60  }
0xbd: {  	[dreg:$0x2] =	wrdreg s24  }
0xbe: {  	[dreg:$0x3] =	wrdreg s18  }
0xbf: {  	[dreg:$0x4] =	wrdreg $0x90000  }
0xc0: {  	[dreg:$0x5] =	wrdreg $0xA  }
0xc1: {  	_ =	task.clear_ibuf [dreg:s22], $0x6FFFF;
	_ =	strace $0x9000004C  }
0xc2: {  	s29 =	simm.s32 $0xA;
	_ =	strace $0x8000004E  }
0xc3: {  	_ =	swait.ge [sflag:s29], $0x1  }
0xc4: {  	[sflag:s29] =	ssyncadd.s32 $0xFFFFFFFF  }
0xc5: {  	_ =	strace $0x9000004E  }
0xc6: {  	_ =	sfence  }
0xc7: {  	s30 =	sld [smem:$0x0];
	_ =	sdelay $0x2  }
0xc8: {  	s31 =	sshll.u32 s1, $0xD;
	s1 =	sshrl.u32 s1, $0x2  }
0xc9: {  	s4 =	sand.u32 $0x4000, s31;
	s1 =	sadd.s32 s1, s30  }
0xca: {  	s0 =	sor.u32 s4, s0;
	s1 =	sshll.u32 s1, $0x11  }
0xcb: {  	s0 =	sor.u32 s1, s0  }
0xcc: {  	s0 =	sadd.s32 $0x8F2B, s0  }
0xcd: {  	[sflag:s0] =	ssyncadd.remote.s32 $0x1  }
0xce: {  	_ =	sfence.sel $0xFFFF  }
0xcf: {  	[dreg:$0x0] =	wrdreg $0xFFFFFFFF;
	(pc) =	sbr.abs _section_cstart, $3  }
0xd0: {  	[dreg:$0x1] =	wrdreg $0xFFFFFFFF  }
0xd1: {  	_ =	task.clear_ibuf [dreg:s22], $0x2FFFF;
	_ =	strace $0x9FFFFFFF  }
0xd2: {  	(tm) =	ssettm $0x7FFFFFFF  }
0xd3: {  	_ =	shalt  }
tec
execute0_lowered:
.L_overlay_start_1:
0x0: {  	(tag) =	ssettag $0x1  }
0x1: {  	s6 =	rddreg [dreg:$0x0]  }
0x2: {  	s7 =	rddreg [dreg:$0x1]  }
0x3: {  	s0 =	srdreg.scid;
	s2 =	rddreg [dreg:$0x2]  }
0x4: {  	s3 =	simm.s32 $0x0;
	s14 =	simm.s32 $0x80;
	s15 =	simm.s32 $0x5000  }
0x5: {  	s16 =	simm.s32 $0x1;
	s5 =	sand.u32 $0x1, s0;
	s0 =	stileid.u32  }
0x6: {  	s17 =	simm.s32 $0x0;
	[smem:$0x7FF] =	sst s3;
	s9 =	smul.u32 $0x140000, s5  }
0x7: {  	s4 =	sadd.s32 $0xAFA00, s6;
	s1 =	sshll.u32 s5, $0x4;
	s10 =	smul.u32 $0x14000, s0  }
0x8: {  	s29 =	ssub.s32 $0x2, s5;
	s13 =	smul.u32 $0x50000, s0;
	s5 =	sadd.s32 $0x3200, s6  }
0x9: {  	s31 =	sshll.u32 s0, $0x6;
	s1 =	sor.u32 s0, s1;
	s12 =	sshrl.u32 s29, $0x1  }
0xa: {  	s8 =	smul.u32 $0x500, s1;
	s1 =	rddreg [dreg:$0x3];
	_ =	strace $0x8000004D  }
0xb: {  	s9 =	sadd.s32 s10, s9;
	s10 =	ssub.s32 s29, s12;
	s30 =	sshrl.u32 s13, $0x2  }
0xc: {  	s12 =	sor.u32 $0x1C02, s31;
	s9 =	sshrl.u32 s9, $0x3;
	s13 =	sadd.s32 s30, s2  }
0xd: {  	s11 =	sadd.s32 s8, s6;
	s9 =	sadd.s32 s9, s6;
	s6 =	sadd.s32 s7, s8  }
0xe: {  	s13 =	sshrl.u32 s13, $0x3;
	s7 =	sadd.s32 $0x55A00, s11;
	s8 =	sadd.s32 $0xD7A00, s9  }
0xf: {  	s9 =	smax.u32 s10, $0x1;
	s10 =	simm.s32 $0x2;
	s11 =	simm.s32 $0x2800  }
.LBB2_1:
0x10: {  	[tilespmem:s3], [sflag:$0x2] =	stream.linear.gather [hbm4b:s6+s3], $0x2780, $0x38;
	[tilespmem:$0x1D000] =	vst v63  }
0x11: {  	_ =	swait.ge [sflag:s10], $0x2780  }
0x12: {  	[sflag:s10] =	ssyncset.done $0x0  }
0x13: {  	[sflag:s10] =	ssyncadd.s32 $0xFFFFD880  }
0x14: {  	[tilespmem:s11], [sflag:$0x2] =	stream.linear.gather [hbm4b:s7+s3], $0x2780, $0x38;
	[tilespmem:$0x1D000] =	vst v63  }
0x15: {  	_ =	swait.ge [sflag:s10], $0x2780  }
0x16: {  	[sflag:s10] =	ssyncset.done $0x0  }
0x17: {  	[sflag:s10] =	ssyncadd.s32 $0xFFFFD880  }
0x18: {  	[spmem:s13], [sflag:s12] =	dma.local [hbm:s5], $0x2800  }
0x19: {  	_ =	swait.ge [sflag:s10], $0x2800  }
0x1a: {  	[sflag:s10] =	ssyncset.done $0x0  }
0x1b: {  	[sflag:s10] =	ssyncadd.s32 $0xFFFFD800  }
0x1c: {  	s18 =	simm.s32 $0x0;
	[bflag:$0x0] =	sbarrier.arrive $0xFFFF  }
0x1d: {  	[tilespmem:s15], [sflag:$0x1] =	stream.indirect.gather [hbm4b:s4+s14], $0x80, s18, s14, $0xb8;
	[tilespmem:$0x1D000] =	vst v63  }
0x1e: {  	_ =	swait.ge [sflag:s16], $0x4000  }
0x1f: {  	[sflag:s16] =	ssyncset.done $0x0  }
0x20: {  	s31 =	simm.s32 $0x2800;
	[sflag:s16] =	ssyncadd.s32 $0xFFFFC000  }
0x21: {  	[spmem:s2] =	stream.indirect.scatter.add.f32 [tilespmem:s15], [sflag:$0x2], $0x80, s31, s14, $0xb8;
	[tilespmem:$0x1D000] =	vst v63  }
0x22: {  	_ =	swait.ge [sflag:s10], $0x4000  }
0x23: {  	s19 =	simm.s32 $0x400;
	s18 =	simm.s32 $0x200;
	[sflag:s10] =	ssyncset.done $0x0  }
.LBB2_2:
0x24: {  	s20 =	sshra.s32 s18, $0x2  }
0x25: {  	[sflag:s10] =	ssyncadd.s32 $0xFFFFC000;
	s18 =	smov.u32 s19;
	s21 =	sadd.s32 $0x200, s19  }
0x26: {  	[tilespmem:s15], [sflag:$0x1] =	stream.indirect.gather [hbm4b:s4+s14], $0x80, s20, s14, $0xb8;
	[tilespmem:$0x1D000] =	vst v63  }
0x27: {  	p0 =	sne.s32 s19, $0x9C00;
	_ =	swait.ge [sflag:s16], $0x4000  }
.Ltmp0:
0x28: {  	[sflag:s16] =	ssyncset.done $0x0;
	(pc) =	sbr.rel @p0 .LBB2_2-.Ltmp0, $4  }
0x29: {  	s19 =	sadd.s32 $0x2800, s20;
	[sflag:s16] =	ssyncadd.s32 $0xFFFFC000  }
0x2a: {  	[spmem:s2] =	stream.indirect.scatter.add.f32 [tilespmem:s15], [sflag:$0x2], $0x80, s19, s14, $0xb8;
	[tilespmem:$0x1D000] =	vst v63  }
0x2b: {  	_ =	swait.ge [sflag:s10], $0x4000  }
0x2c: {  	s19 =	smov.u32 s21;
	[sflag:s10] =	ssyncset.done $0x0  }
0x2d: {  	s18 =	sshra.s32 s18, $0x2;
	[sflag:s10] =	ssyncadd.s32 $0xFFFFC000  }
0x2e: {  	[tilespmem:s15], [sflag:$0x1] =	stream.indirect.gather [hbm4b:s4+s14], $0x80, s18, s14, $0xb8;
	[tilespmem:$0x1D000] =	vst v63  }
0x2f: {  	_ =	swait.ge [sflag:s16], $0x4000  }
0x30: {  	[sflag:s16] =	ssyncset.done $0x0  }
0x31: {  	s18 =	sadd.s32 $0x2800, s18;
	[sflag:s16] =	ssyncadd.s32 $0xFFFFC000  }
0x32: {  	[spmem:s2] =	stream.indirect.scatter.add.f32 [tilespmem:s15], [sflag:$0x2], $0x80, s18, s14, $0xb8;
	[tilespmem:$0x1D000] =	vst v63  }
0x33: {  	_ =	swait.ge [sflag:s10], $0x4000  }
0x34: {  	s17 =	sadd.s32 $0x1, s17;
	[sflag:s10] =	ssyncset.done $0x0  }
0x35: {  	p0 =	sne.s32 s17, s9;
	[sflag:s10] =	ssyncadd.s32 $0xFFFFC000  }
.Ltmp1:
0x36: {  	[bflag:$0x0] =	sbarrier.arrive $0xFFFF;
	(pc) =	sbr.rel @p0 .LBB2_1-.Ltmp1, $4  }
0x37: {  	[hbm:s8], [sflag:s12] =	dma.local [spmem:s13], $0x2800  }
0x38: {  	_ =	swait.ge [sflag:s10], $0x2800  }
0x39: {  	[sflag:s10] =	ssyncset.done $0x0  }
0x3a: {  	[sflag:s10] =	ssyncadd.s32 $0xFFFFD800  }
0x3b: {  	_ =	sfence.sel $0x180000  }
0x3c: {  	[bflag:$0x0] =	sbarrier.arrive $0xFFFF  }
0x3d: {  	p0 =	sne.s32 s0, $0x0;
	_ =	strace $0x9000004D  }
0x3e: {  	s0 =	sadd.s32 @!p0 $0x100000, s1;
	[bflag:$0x2] =	sbarrier.arrive $0xFFFF  }
0x3f: {  	[sflag:s0] =	ssyncadd.tile.s32 @!p0 $0x1;
	_ =	shalt  }
.Lfunc_end2:
_tile_overlayer_lowered:
.L_overlay_start_2:
0x40: {  	(tag) =	ssettag $0x2  }
0x41: {  	s0 =	rddreg [dreg:$0x0];
	s2 =	stileid.u32  }
0x42: {  	s1 =	rddreg [dreg:$0x1];
	p0 =	sne.s32 s2, $0x0  }
0x43: {  	s3 =	rddreg [dreg:$0x2];
	[bflag:$0x3] =	sbarrier.arrive $0xFFFF;
	s2 =	simm.s32 @!p0 $0x1C02  }
0x44: {  	[timem:s3], [sflag:s2] =	dma.local @!p0 [hbm:s0], s1  }
0x45: {  	s0 =	simm.s32 @!p0 $0x2  }
0x46: {  	_ =	swait.ge @!p0 [sflag:s0], s1  }
0x47: {  	s1 =	ssub.s32 @!p0 $0x0, s1;
	[sflag:s0] =	ssyncset.done @!p0 $0x0  }
0x48: {  	[sflag:s0] =	ssyncadd.s32 @!p0 s1  }
0x49: {  	[bflag:$0x3] =	sbarrier.arrive $0xFFFF  }
0x4a: {  	_ =	shalt  }

// kernel: kernel.18.cloned.1.call-start
scs
__scs_entry_jumppad:
0x0: {  	(pc) =	sbr.rel $0x88, $3  }
0x1: {  	(tag) =	ssettag $0x0;
	lr =	simm.s32 $0x1  }
0x2: {  	[smem:$0x3F9A] =	sst lr;
	_ =	strace $0xD0000000  }
0x3: {  	_ = 	snop  }
0x4: {  	_ = 	snop  }
0x5: {  	_ = 	snop  }
0x6: {  	_ = 	snop  }
0x7: {  	_ = 	snop  }
__scs_overlays_trampoline_lowered:
0x8: {  	[smem:$0x3FA9] =	sst s0  }
0x9: {  	[smem:$0x3FAA] =	sst s1  }
0xa: {  	[smem:$0x3FAB] =	sst s2  }
0xb: {  	[smem:$0x3FAC] =	sst s3  }
0xc: {  	[smem:$0x3FAD] =	sst s4  }
0xd: {  	[smem:$0x3FAE] =	sst s5  }
0xe: {  	[smem:$0x3FAF] =	sst s6  }
0xf: {  	[smem:$0x3FB0] =	sst s7  }
0x10: {  	[smem:$0x3FB1] =	sst s8  }
0x11: {  	[smem:$0x3FB2] =	sst s9;
	s0 =	simm.s32 @!p0 $0x0  }
0x12: {  	s1 =	sld [smem:$0x3F98];
	s0 =	simm.s32 @p0 $0x1  }
0x13: {  	[smem:$0x3FB3] =	sst s0;
	s0 =	simm.s32 @!p1 $0x0  }
0x14: {  	s2 =	sld [smem:$0x3F97];
	s0 =	simm.s32 @p1 $0x1  }
0x15: {  	[smem:$0x3FB4] =	sst s0;
	s0 =	simm.s32 @!p2 $0x0  }
0x16: {  	s3 =	sld [smem:$0x3FDB];
	s0 =	simm.s32 @p2 $0x1  }
0x17: {  	s4 =	simm.s32 $0x1BF5;
	[smem:$0x3FB6] =	sst s0  }
0x18: {  	s0 =	sld [smem:$0x3F99];
	_ =	swait.ge [sflag:s4], $0x0  }
0x19: {  	s7 =	sld [smem:$0x3F9A]  }
0x1a: {  	s8 =	sadd.s32 $0xFFFFE003, lr  }
0x1b: {  	s9 =	sadd.s32 $0xFFFFFEF7, lr;
	s5 =	simm.s32 $0xFFFFFFFF;
	p2 =	slt.u32 s8, $0xFFFFF086  }
0x1c: {  	p1 =	slt.u32 s9, $0xF7A;
	s5 =	simm.s32 @!p2 $0x0  }
0x1d: {  	s5 =	simm.s32 @p1 $0x1;
	p0 =	seq.s32 s7, s2  }
0x1e: {  	s7 =	smul.u32 @!p0 $0xF7A, s2;
	p2 =	seq.s32 @!p0 s5, $0x0  }
0x1f: {  	s9 =	smul.u32 $0xF7A, s1;
	s8 =	simm.s32 @!p0 $0x1BF5;
	p2 =	por !p2, p0  }
0x20: {  	[sflag:s8] =	ssyncset.s32 @!p0 $0xFFFFF086;
	s6 =	sadd.s32 @!p0 s3, s7;
	s7 =	simm.s32 @!p0 $0x108  }
0x21: {  	s3 =	sadd.s32 s3, s9;
	s6 =	sadd.s32 @!p0 $0x88, s6;
	s7 =	simm.s32 @p2 $0x1082  }
0x22: {  	[simem:s7], [sflag:s8] =	dma.local @!p0 [hbm:s6], $0xF7A  }
0x23: {  	s9 =	sor.u32 $0xD0000000, s2;
	s6 =	simm.s32 $0x108;
	_ =	swait.ge @!p0 [sflag:s8], $0x0  }
0x24: {  	s3 =	sadd.s32 $0x88, s3;
	s6 =	simm.s32 @!p1 $0x1082;
	[sflag:s4] =	ssyncset.s32 $0xFFFFF086  }
0x25: {  	[simem:s6], [sflag:s4] =	dma.local [hbm:s3], $0xF7A  }
0x26: {  	[smem:$0x3F9A] =	sst s1;
	(tag) =	ssettag s2;
	_ =	strace s9  }
0x27: {  	s1 =	sld [smem:$0x3FAA]  }
0x28: {  	s2 =	sld [smem:$0x3FAB]  }
0x29: {  	s4 =	sld [smem:$0x3FAD]  }
0x2a: {  	p0 =	seq.s32 s5, $0x0;
	s5 =	sld [smem:$0x3FAE]  }
0x2b: {  	s6 =	sld [smem:$0x3FAF]  }
0x2c: {  	s7 =	sld [smem:$0x3FB0]  }
0x2d: {  	s3 =	simm.s32 $0x108;
	s8 =	sld [smem:$0x3FB1]  }
0x2e: {  	s3 =	simm.s32 @!p0 $0x1082;
	s9 =	sld [smem:$0x3FB2]  }
0x2f: {  	lr =	sadd.s32 s0, s3;
	s0 =	sld [smem:$0x3FA9]  }
0x30: {  	s3 =	sld [smem:$0x3FAC]  }
0x31: {  	[smem:$0x3FB5] =	sst s10  }
0x32: {  	s10 =	sld [smem:$0x3FB3];
	_ =	sdelay $0x3  }
0x33: {  	p0 =	seq.s32 s10, $0x1;
	s10 =	sld [smem:$0x3FB5];
	_ =	sdelay $0x3  }
0x34: {  	[smem:$0x3FB5] =	sst s10  }
0x35: {  	s10 =	sld [smem:$0x3FB4];
	_ =	sdelay $0x3  }
0x36: {  	p1 =	seq.s32 s10, $0x1;
	s10 =	sld [smem:$0x3FB5];
	_ =	sdelay $0x3  }
0x37: {  	[smem:$0x3FB5] =	sst s10  }
0x38: {  	s10 =	sld [smem:$0x3FB6]  }
0x39: {  	_ = 	snop;
	(pc) =	sbr.ind lr, $3  }
0x3a: {  	_ = 	snop  }
0x3b: {  	_ = 	snop  }
0x3c: {  	p2 =	seq.s32 s10, $0x1;
	s10 =	sld [smem:$0x3FB5]  }
0x3d: {  	_ =	shalt  }
0x3e: {  	_ =	shalt  }
0x3f: {  	_ =	shalt  }
0x40: {  	_ =	shalt  }
0x41: {  	_ =	shalt  }
0x42: {  	_ =	shalt  }
0x43: {  	_ =	shalt  }
0x44: {  	_ =	shalt  }
0x45: {  	_ =	shalt  }
0x46: {  	_ =	shalt  }
0x47: {  	_ =	shalt  }
0x48: {  	_ =	shalt  }
0x49: {  	_ =	shalt  }
0x4a: {  	_ =	shalt  }
0x4b: {  	_ =	shalt  }
0x4c: {  	_ =	shalt  }
0x4d: {  	_ =	shalt  }
0x4e: {  	_ =	shalt  }
0x4f: {  	_ =	shalt  }
0x50: {  	_ =	shalt  }
0x51: {  	_ =	shalt  }
0x52: {  	_ =	shalt  }
0x53: {  	_ =	shalt  }
0x54: {  	_ =	shalt  }
0x55: {  	_ =	shalt  }
0x56: {  	_ =	shalt  }
0x57: {  	_ =	shalt  }
0x58: {  	_ =	shalt  }
0x59: {  	_ =	shalt  }
0x5a: {  	_ =	shalt  }
0x5b: {  	_ =	shalt  }
0x5c: {  	_ =	shalt  }
0x5d: {  	_ =	shalt  }
0x5e: {  	_ =	shalt  }
0x5f: {  	_ =	shalt  }
0x60: {  	_ =	shalt  }
0x61: {  	_ =	shalt  }
0x62: {  	_ =	shalt  }
0x63: {  	_ =	shalt  }
0x64: {  	_ =	shalt  }
0x65: {  	_ =	shalt  }
0x66: {  	_ =	shalt  }
0x67: {  	_ =	shalt  }
0x68: {  	_ =	shalt  }
0x69: {  	_ =	shalt  }
0x6a: {  	_ =	shalt  }
0x6b: {  	_ =	shalt  }
0x6c: {  	_ =	shalt  }
0x6d: {  	_ =	shalt  }
0x6e: {  	_ =	shalt  }
0x6f: {  	_ =	shalt  }
0x70: {  	_ =	shalt  }
0x71: {  	_ =	shalt  }
0x72: {  	_ =	shalt  }
0x73: {  	_ =	shalt  }
0x74: {  	_ =	shalt  }
0x75: {  	_ =	shalt  }
0x76: {  	_ =	shalt  }
0x77: {  	_ =	shalt  }
0x78: {  	_ =	shalt  }
0x79: {  	_ =	shalt  }
0x7a: {  	_ =	shalt  }
0x7b: {  	_ =	shalt  }
0x7c: {  	_ =	shalt  }
0x7d: {  	_ =	shalt  }
0x7e: {  	_ =	shalt  }
0x7f: {  	_ =	shalt  }
0x80: {  	_ =	shalt  }
0x81: {  	_ =	shalt  }
0x82: {  	_ =	shalt  }
0x83: {  	_ =	shalt  }
0x84: {  	_ =	shalt  }
0x85: {  	_ =	shalt  }
0x86: {  	_ =	shalt  }
0x87: {  	_ =	shalt  }
.Lfunc_end0:
.L_simem_size_0:
called_computation.3_lowered:
.L_overlay_start_0:
0x88: {  	s2 =	sld [smem:$0x3FD9]  }
0x89: {  	s3 =	sld [smem:$0x3FFE];
	_ =	sdelay $0x1  }
0x8a: {  	s1 =	srdreg.scid  }
0x8b: {  	s0 =	sand.u32 $0x1, s1  }
0x8c: {  	s17 =	sshll.u32 s0, $0xA;
	s2 =	sadd.s32 s3, s2  }
0x8d: {  	s2 =	sadd.s32 s2, s17  }
0x8e: {  	[smem:$0x3FC1] =	sst s2  }
0x8f: {  	_ = 	snop  }
0x90: {  	s2 =	sld [smem:$0x3FD0];
	(tm) =	ssettm $0x1  }
0x91: {  	s18 =	sld [smem:$0x3FFB];
	_ =	sdelay $0x3  }
0x92: {  	_ =	strace s18  }
0x93: {  	s3 =	sld [smem:$0x3FFC];
	_ =	sdelay $0x3  }
0x94: {  	_ =	strace s3  }
0x95: {  	s3 =	sld [smem:$0x3FFD];
	_ =	sdelay $0x3  }
0x96: {  	_ =	strace s3  }
0x97: {  	_ =	strace $0x8FFFFFFF  }
0x98: {  	s19 =	sld [smem:$0x3FDB];
	_ =	sdelay $0x1  }
0x99: {  	s4 =	simm.s32 $_scs_section_size  }
0x9a: {  	s5 =	simm.s32 $_size__tile_overlayer_lowered;
	s6 =	simm.s32 $_tile_overlayer_lowered  }
0x9b: {  	s22 =	simm.s32 $0x1BFF;
	s21 =	sshll.u32 s6, $0x1;
	s3 =	sadd.s32 s4, s19  }
0x9c: {  	s7 =	simm.s32 $0x0;
	s20 =	sshll.u32 s5, $0x1;
	s5 =	sadd.s32 s21, s3  }
0x9d: {  	[timem:s7], [sflag:s22] =	dma.local [hbm:s5], s20  }
0x9e: {  	_ =	swait.ge [sflag:s22], s20  }
0x9f: {  	s4 =	ssub.s32 $0x0, s20;
	[sflag:s22] =	ssyncset.done $0x0  }
0xa0: {  	[sflag:s22] =	ssyncadd.s32 s4;
	_ =	sdelay $0x1  }
0xa1: {  	s23 =	simm.s32 $0x1B8B  }
0xa2: {  	_ =	swait.ge [sflag:s23], $0x1  }
0xa3: {  	[sflag:s23] =	ssyncset.done $0x0  }
0xa4: {  	s25 =	simm.s32 $0x1B8E;
	s24 =	sld [smem:$0x3FFE];
	[sflag:s23] =	ssyncadd.s32 $0xFFFFFFFF  }
0xa5: {  	s26 =	simm.s32 $execute0_lowered;
	[smem:$0x3FD2] =	sst s25  }
0xa6: {  	s5 =	sshll.u32 s26, $0x1;
	_ =	strace $0x8000004F;
	[dreg:$0x1] =	wrdreg $0xFFFFFFFF  }
0xa7: {  	s28 =	simm.s32 $_size_execute0_lowered;
	s3 =	sadd.s32 s3, s5;
	[dreg:$0x0] =	wrdreg $0x0  }
0xa8: {  	s5 =	sshll.u32 s28, $0x1;
	[dreg:$0x2] =	wrdreg s3  }
0xa9: {  	[dreg:$0x3] =	wrdreg s5  }
0xaa: {  	[dreg:$0x4] =	wrdreg $0xC0  }
0xab: {  	_ =	task [dreg:s7], $0x5FFFF  }
0xac: {  	[dreg:$0x1] =	wrdreg $0xFFFFFFFF  }
0xad: {  	[dreg:$0x0] =	wrdreg $0x60  }
0xae: {  	[dreg:$0x2] =	wrdreg s24  }
0xaf: {  	[dreg:$0x3] =	wrdreg s2  }
0xb0: {  	[dreg:$0x4] =	wrdreg $0x90000  }
0xb1: {  	[dreg:$0x5] =	wrdreg $0x9  }
0xb2: {  	_ =	task.clear_ibuf [dreg:s7], $0x6FFFF;
	_ =	strace $0x9000004F  }
0xb3: {  	s29 =	simm.s32 $0x9;
	_ =	strace $0x80000051  }
0xb4: {  	_ =	swait.ge [sflag:s29], $0x1  }
0xb5: {  	[sflag:s29] =	ssyncadd.s32 $0xFFFFFFFF  }
0xb6: {  	_ =	strace $0x90000051  }
0xb7: {  	_ =	sfence  }
0xb8: {  	s30 =	sld [smem:$0x0];
	_ =	sdelay $0x2  }
0xb9: {  	s31 =	sshll.u32 s1, $0xD;
	s1 =	sshrl.u32 s1, $0x2  }
0xba: {  	s3 =	sand.u32 $0x4000, s31;
	s1 =	sadd.s32 s1, s30  }
0xbb: {  	s0 =	sor.u32 s3, s0;
	s1 =	sshll.u32 s1, $0x11  }
0xbc: {  	s0 =	sor.u32 s1, s0  }
0xbd: {  	s0 =	sadd.s32 $0x8F2B, s0  }
0xbe: {  	[sflag:s0] =	ssyncadd.remote.s32 $0x1  }
0xbf: {  	_ =	sfence.sel $0xFFFF  }
0xc0: {  	[dreg:$0x0] =	wrdreg $0xFFFFFFFF;
	(pc) =	sbr.abs _section_cstart, $3  }
0xc1: {  	[dreg:$0x1] =	wrdreg $0xFFFFFFFF  }
0xc2: {  	_ =	task.clear_ibuf [dreg:s7], $0x2FFFF;
	_ =	strace $0x9FFFFFFF  }
0xc3: {  	(tm) =	ssettm $0x7FFFFFFF  }
tec
execute0_lowered:
.L_overlay_start_1:
0x0: {  	(tag) =	ssettag $0x1  }
0x1: {  	s6 =	rddreg [dreg:$0x0]  }
0x2: {  	s7 =	rddreg [dreg:$0x1]  }
0x3: {  	s0 =	srdreg.scid;
	s2 =	rddreg [dreg:$0x2]  }
0x4: {  	s3 =	simm.s32 $0x0;
	s14 =	simm.s32 $0x80;
	s15 =	simm.s32 $0x5000  }
0x5: {  	s16 =	simm.s32 $0x1;
	s5 =	sand.u32 $0x1, s0;
	s0 =	stileid.u32  }
0x6: {  	s17 =	simm.s32 $0x0;
	[smem:$0x7FF] =	sst s3;
	s9 =	smul.u32 $0x140000, s5  }
0x7: {  	s4 =	sadd.s32 $0x5A00, s6;
	s1 =	sshll.u32 s5, $0x4;
	s10 =	smul.u32 $0x14000, s0  }
0x8: {  	s29 =	ssub.s32 $0x2, s5;
	s13 =	smul.u32 $0x50000, s0;
	s5 =	sadd.s32 $0x3200, s6  }
0x9: {  	s31 =	sshll.u32 s0, $0x6;
	s1 =	sor.u32 s0, s1;
	s12 =	sshrl.u32 s29, $0x1  }
0xa: {  	s8 =	smul.u32 $0x500, s1;
	s1 =	rddreg [dreg:$0x3];
	_ =	strace $0x80000050  }
0xb: {  	s9 =	sadd.s32 s10, s9;
	s10 =	ssub.s32 s29, s12;
	s30 =	sshrl.u32 s13, $0x2  }
0xc: {  	s12 =	sor.u32 $0x1C02, s31;
	s9 =	sshrl.u32 s9, $0x3;
	s13 =	sadd.s32 s30, s2  }
0xd: {  	s11 =	sadd.s32 s8, s6;
	s9 =	sadd.s32 s9, s6;
	s6 =	sadd.s32 s7, s8  }
0xe: {  	s13 =	sshrl.u32 s13, $0x3;
	s7 =	sadd.s32 $0x55A00, s11;
	s8 =	sadd.s32 $0xAFA00, s9  }
0xf: {  	s9 =	smax.u32 s10, $0x1;
	s10 =	simm.s32 $0x2;
	s11 =	simm.s32 $0x2800  }
.LBB2_1:
0x10: {  	[tilespmem:s3], [sflag:$0x2] =	stream.linear.gather [hbm4b:s6+s3], $0x2780, $0x38;
	[tilespmem:$0x1D000] =	vst v63  }
0x11: {  	_ =	swait.ge [sflag:s10], $0x2780  }
0x12: {  	[sflag:s10] =	ssyncset.done $0x0  }
0x13: {  	[sflag:s10] =	ssyncadd.s32 $0xFFFFD880  }
0x14: {  	[tilespmem:s11], [sflag:$0x2] =	stream.linear.gather [hbm4b:s7+s3], $0x2780, $0x38;
	[tilespmem:$0x1D000] =	vst v63  }
0x15: {  	_ =	swait.ge [sflag:s10], $0x2780  }
0x16: {  	[sflag:s10] =	ssyncset.done $0x0  }
0x17: {  	[sflag:s10] =	ssyncadd.s32 $0xFFFFD880  }
0x18: {  	[spmem:s13], [sflag:s12] =	dma.local [hbm:s5], $0x2800  }
0x19: {  	_ =	swait.ge [sflag:s10], $0x2800  }
0x1a: {  	[sflag:s10] =	ssyncset.done $0x0  }
0x1b: {  	[sflag:s10] =	ssyncadd.s32 $0xFFFFD800  }
0x1c: {  	s18 =	simm.s32 $0x0;
	[bflag:$0x0] =	sbarrier.arrive $0xFFFF  }
0x1d: {  	[tilespmem:s15], [sflag:$0x1] =	stream.indirect.gather [hbm4b:s4+s14], $0x80, s18, s14, $0xb8;
	[tilespmem:$0x1D000] =	vst v63  }
0x1e: {  	_ =	swait.ge [sflag:s16], $0x4000  }
0x1f: {  	[sflag:s16] =	ssyncset.done $0x0  }
0x20: {  	s31 =	simm.s32 $0x2800;
	[sflag:s16] =	ssyncadd.s32 $0xFFFFC000  }
0x21: {  	[spmem:s2] =	stream.indirect.scatter.add.f32 [tilespmem:s15], [sflag:$0x2], $0x80, s31, s14, $0xb8;
	[tilespmem:$0x1D000] =	vst v63  }
0x22: {  	_ =	swait.ge [sflag:s10], $0x4000  }
0x23: {  	s19 =	simm.s32 $0x400;
	s18 =	simm.s32 $0x200;
	[sflag:s10] =	ssyncset.done $0x0  }
.LBB2_2:
0x24: {  	s20 =	sshra.s32 s18, $0x2  }
0x25: {  	[sflag:s10] =	ssyncadd.s32 $0xFFFFC000;
	s18 =	smov.u32 s19;
	s21 =	sadd.s32 $0x200, s19  }
0x26: {  	[tilespmem:s15], [sflag:$0x1] =	stream.indirect.gather [hbm4b:s4+s14], $0x80, s20, s14, $0xb8;
	[tilespmem:$0x1D000] =	vst v63  }
0x27: {  	p0 =	sne.s32 s19, $0x9C00;
	_ =	swait.ge [sflag:s16], $0x4000  }
.Ltmp0:
0x28: {  	[sflag:s16] =	ssyncset.done $0x0;
	(pc) =	sbr.rel @p0 .LBB2_2-.Ltmp0, $4  }
0x29: {  	s19 =	sadd.s32 $0x2800, s20;
	[sflag:s16] =	ssyncadd.s32 $0xFFFFC000  }
0x2a: {  	[spmem:s2] =	stream.indirect.scatter.add.f32 [tilespmem:s15], [sflag:$0x2], $0x80, s19, s14, $0xb8;
	[tilespmem:$0x1D000] =	vst v63  }
0x2b: {  	_ =	swait.ge [sflag:s10], $0x4000  }
0x2c: {  	s19 =	smov.u32 s21;
	[sflag:s10] =	ssyncset.done $0x0  }
0x2d: {  	s18 =	sshra.s32 s18, $0x2;
	[sflag:s10] =	ssyncadd.s32 $0xFFFFC000  }
0x2e: {  	[tilespmem:s15], [sflag:$0x1] =	stream.indirect.gather [hbm4b:s4+s14], $0x80, s18, s14, $0xb8;
	[tilespmem:$0x1D000] =	vst v63  }
0x2f: {  	_ =	swait.ge [sflag:s16], $0x4000  }
0x30: {  	[sflag:s16] =	ssyncset.done $0x0  }
0x31: {  	s18 =	sadd.s32 $0x2800, s18;
	[sflag:s16] =	ssyncadd.s32 $0xFFFFC000  }
0x32: {  	[spmem:s2] =	stream.indirect.scatter.add.f32 [tilespmem:s15], [sflag:$0x2], $0x80, s18, s14, $0xb8;
	[tilespmem:$0x1D000] =	vst v63  }
0x33: {  	_ =	swait.ge [sflag:s10], $0x4000  }
0x34: {  	s17 =	sadd.s32 $0x1, s17;
	[sflag:s10] =	ssyncset.done $0x0  }
0x35: {  	p0 =	sne.s32 s17, s9;
	[sflag:s10] =	ssyncadd.s32 $0xFFFFC000  }
.Ltmp1:
0x36: {  	[bflag:$0x0] =	sbarrier.arrive $0xFFFF;
	(pc) =	sbr.rel @p0 .LBB2_1-.Ltmp1, $4  }
0x37: {  	[hbm:s8], [sflag:s12] =	dma.local [spmem:s13], $0x2800  }
0x38: {  	_ =	swait.ge [sflag:s10], $0x2800  }
0x39: {  	[sflag:s10] =	ssyncset.done $0x0  }
0x3a: {  	[sflag:s10] =	ssyncadd.s32 $0xFFFFD800  }
0x3b: {  	_ =	sfence.sel $0x180000  }
0x3c: {  	[bflag:$0x0] =	sbarrier.arrive $0xFFFF  }
0x3d: {  	p0 =	sne.s32 s0, $0x0;
	_ =	strace $0x90000050  }
0x3e: {  	s0 =	sadd.s32 @!p0 $0x100000, s1;
	[bflag:$0x2] =	sbarrier.arrive $0xFFFF  }
0x3f: {  	[sflag:s0] =	ssyncadd.tile.s32 @!p0 $0x1;
	_ =	shalt  }
.Lfunc_end2:
_tile_overlayer_lowered:
.L_overlay_start_2:
0x40: {  	(tag) =	ssettag $0x2  }
0x41: {  	s0 =	rddreg [dreg:$0x0];
	s2 =	stileid.u32  }
0x42: {  	s1 =	rddreg [dreg:$0x1];
	p0 =	sne.s32 s2, $0x0  }
0x43: {  	s3 =	rddreg [dreg:$0x2];
	[bflag:$0x3] =	sbarrier.arrive $0xFFFF;
	s2 =	simm.s32 @!p0 $0x1C02  }
0x44: {  	[timem:s3], [sflag:s2] =	dma.local @!p0 [hbm:s0], s1  }
0x45: {  	s0 =	simm.s32 @!p0 $0x2  }
0x46: {  	_ =	swait.ge @!p0 [sflag:s0], s1  }
0x47: {  	s1 =	ssub.s32 @!p0 $0x0, s1;
	[sflag:s0] =	ssyncset.done @!p0 $0x0  }
0x48: {  	[sflag:s0] =	ssyncadd.s32 @!p0 s1  }
0x49: {  	[bflag:$0x3] =	sbarrier.arrive $0xFFFF  }
0x4a: {  	_ =	shalt  }

// kernel: kernel.9.cloned.1.call-start
scs
__scs_entry_jumppad:
0x0: {  	(pc) =	sbr.rel $0x88, $3  }
0x1: {  	(tag) =	ssettag $0x0;
	lr =	simm.s32 $0x1  }
0x2: {  	[smem:$0x3F9A] =	sst lr;
	_ =	strace $0xD0000000  }
0x3: {  	_ = 	snop  }
0x4: {  	_ = 	snop  }
0x5: {  	_ = 	snop  }
0x6: {  	_ = 	snop  }
0x7: {  	_ = 	snop  }
__scs_overlays_trampoline_lowered:
0x8: {  	[smem:$0x3FA9] =	sst s0  }
0x9: {  	[smem:$0x3FAA] =	sst s1  }
0xa: {  	[smem:$0x3FAB] =	sst s2  }
0xb: {  	[smem:$0x3FAC] =	sst s3  }
0xc: {  	[smem:$0x3FAD] =	sst s4  }
0xd: {  	[smem:$0x3FAE] =	sst s5  }
0xe: {  	[smem:$0x3FAF] =	sst s6  }
0xf: {  	[smem:$0x3FB0] =	sst s7  }
0x10: {  	[smem:$0x3FB1] =	sst s8  }
0x11: {  	[smem:$0x3FB2] =	sst s9;
	s0 =	simm.s32 @!p0 $0x0  }
0x12: {  	s1 =	sld [smem:$0x3F98];
	s0 =	simm.s32 @p0 $0x1  }
0x13: {  	[smem:$0x3FB3] =	sst s0;
	s0 =	simm.s32 @!p1 $0x0  }
0x14: {  	s2 =	sld [smem:$0x3F97];
	s0 =	simm.s32 @p1 $0x1  }
0x15: {  	[smem:$0x3FB4] =	sst s0;
	s0 =	simm.s32 @!p2 $0x0  }
0x16: {  	s3 =	sld [smem:$0x3FDB];
	s0 =	simm.s32 @p2 $0x1  }
0x17: {  	s4 =	simm.s32 $0x1BF5;
	[smem:$0x3FB6] =	sst s0  }
0x18: {  	s0 =	sld [smem:$0x3F99];
	_ =	swait.ge [sflag:s4], $0x0  }
0x19: {  	s7 =	sld [smem:$0x3F9A]  }
0x1a: {  	s8 =	sadd.s32 $0xFFFFE003, lr  }
0x1b: {  	s9 =	sadd.s32 $0xFFFFFEF7, lr;
	s5 =	simm.s32 $0xFFFFFFFF;
	p2 =	slt.u32 s8, $0xFFFFF086  }
0x1c: {  	p1 =	slt.u32 s9, $0xF7A;
	s5 =	simm.s32 @!p2 $0x0  }
0x1d: {  	s5 =	simm.s32 @p1 $0x1;
	p0 =	seq.s32 s7, s2  }
0x1e: {  	s7 =	smul.u32 @!p0 $0xF7A, s2;
	p2 =	seq.s32 @!p0 s5, $0x0  }
0x1f: {  	s9 =	smul.u32 $0xF7A, s1;
	s8 =	simm.s32 @!p0 $0x1BF5;
	p2 =	por !p2, p0  }
0x20: {  	[sflag:s8] =	ssyncset.s32 @!p0 $0xFFFFF086;
	s6 =	sadd.s32 @!p0 s3, s7;
	s7 =	simm.s32 @!p0 $0x108  }
0x21: {  	s3 =	sadd.s32 s3, s9;
	s6 =	sadd.s32 @!p0 $0x88, s6;
	s7 =	simm.s32 @p2 $0x1082  }
0x22: {  	[simem:s7], [sflag:s8] =	dma.local @!p0 [hbm:s6], $0xF7A  }
0x23: {  	s9 =	sor.u32 $0xD0000000, s2;
	s6 =	simm.s32 $0x108;
	_ =	swait.ge @!p0 [sflag:s8], $0x0  }
0x24: {  	s3 =	sadd.s32 $0x88, s3;
	s6 =	simm.s32 @!p1 $0x1082;
	[sflag:s4] =	ssyncset.s32 $0xFFFFF086  }
0x25: {  	[simem:s6], [sflag:s4] =	dma.local [hbm:s3], $0xF7A  }
0x26: {  	[smem:$0x3F9A] =	sst s1;
	(tag) =	ssettag s2;
	_ =	strace s9  }
0x27: {  	s1 =	sld [smem:$0x3FAA]  }
0x28: {  	s2 =	sld [smem:$0x3FAB]  }
0x29: {  	s4 =	sld [smem:$0x3FAD]  }
0x2a: {  	p0 =	seq.s32 s5, $0x0;
	s5 =	sld [smem:$0x3FAE]  }
0x2b: {  	s6 =	sld [smem:$0x3FAF]  }
0x2c: {  	s7 =	sld [smem:$0x3FB0]  }
0x2d: {  	s3 =	simm.s32 $0x108;
	s8 =	sld [smem:$0x3FB1]  }
0x2e: {  	s3 =	simm.s32 @!p0 $0x1082;
	s9 =	sld [smem:$0x3FB2]  }
0x2f: {  	lr =	sadd.s32 s0, s3;
	s0 =	sld [smem:$0x3FA9]  }
0x30: {  	s3 =	sld [smem:$0x3FAC]  }
0x31: {  	[smem:$0x3FB5] =	sst s10  }
0x32: {  	s10 =	sld [smem:$0x3FB3];
	_ =	sdelay $0x3  }
0x33: {  	p0 =	seq.s32 s10, $0x1;
	s10 =	sld [smem:$0x3FB5];
	_ =	sdelay $0x3  }
0x34: {  	[smem:$0x3FB5] =	sst s10  }
0x35: {  	s10 =	sld [smem:$0x3FB4];
	_ =	sdelay $0x3  }
0x36: {  	p1 =	seq.s32 s10, $0x1;
	s10 =	sld [smem:$0x3FB5];
	_ =	sdelay $0x3  }
0x37: {  	[smem:$0x3FB5] =	sst s10  }
0x38: {  	s10 =	sld [smem:$0x3FB6]  }
0x39: {  	_ = 	snop;
	(pc) =	sbr.ind lr, $3  }
0x3a: {  	_ = 	snop  }
0x3b: {  	_ = 	snop  }
0x3c: {  	p2 =	seq.s32 s10, $0x1;
	s10 =	sld [smem:$0x3FB5]  }
0x3d: {  	_ =	shalt  }
0x3e: {  	_ =	shalt  }
0x3f: {  	_ =	shalt  }
0x40: {  	_ =	shalt  }
0x41: {  	_ =	shalt  }
0x42: {  	_ =	shalt  }
0x43: {  	_ =	shalt  }
0x44: {  	_ =	shalt  }
0x45: {  	_ =	shalt  }
0x46: {  	_ =	shalt  }
0x47: {  	_ =	shalt  }
0x48: {  	_ =	shalt  }
0x49: {  	_ =	shalt  }
0x4a: {  	_ =	shalt  }
0x4b: {  	_ =	shalt  }
0x4c: {  	_ =	shalt  }
0x4d: {  	_ =	shalt  }
0x4e: {  	_ =	shalt  }
0x4f: {  	_ =	shalt  }
0x50: {  	_ =	shalt  }
0x51: {  	_ =	shalt  }
0x52: {  	_ =	shalt  }
0x53: {  	_ =	shalt  }
0x54: {  	_ =	shalt  }
0x55: {  	_ =	shalt  }
0x56: {  	_ =	shalt  }
0x57: {  	_ =	shalt  }
0x58: {  	_ =	shalt  }
0x59: {  	_ =	shalt  }
0x5a: {  	_ =	shalt  }
0x5b: {  	_ =	shalt  }
0x5c: {  	_ =	shalt  }
0x5d: {  	_ =	shalt  }
0x5e: {  	_ =	shalt  }
0x5f: {  	_ =	shalt  }
0x60: {  	_ =	shalt  }
0x61: {  	_ =	shalt  }
0x62: {  	_ =	shalt  }
0x63: {  	_ =	shalt  }
0x64: {  	_ =	shalt  }
0x65: {  	_ =	shalt  }
0x66: {  	_ =	shalt  }
0x67: {  	_ =	shalt  }
0x68: {  	_ =	shalt  }
0x69: {  	_ =	shalt  }
0x6a: {  	_ =	shalt  }
0x6b: {  	_ =	shalt  }
0x6c: {  	_ =	shalt  }
0x6d: {  	_ =	shalt  }
0x6e: {  	_ =	shalt  }
0x6f: {  	_ =	shalt  }
0x70: {  	_ =	shalt  }
0x71: {  	_ =	shalt  }
0x72: {  	_ =	shalt  }
0x73: {  	_ =	shalt  }
0x74: {  	_ =	shalt  }
0x75: {  	_ =	shalt  }
0x76: {  	_ =	shalt  }
0x77: {  	_ =	shalt  }
0x78: {  	_ =	shalt  }
0x79: {  	_ =	shalt  }
0x7a: {  	_ =	shalt  }
0x7b: {  	_ =	shalt  }
0x7c: {  	_ =	shalt  }
0x7d: {  	_ =	shalt  }
0x7e: {  	_ =	shalt  }
0x7f: {  	_ =	shalt  }
0x80: {  	_ =	shalt  }
0x81: {  	_ =	shalt  }
0x82: {  	_ =	shalt  }
0x83: {  	_ =	shalt  }
0x84: {  	_ =	shalt  }
0x85: {  	_ =	shalt  }
0x86: {  	_ =	shalt  }
0x87: {  	_ =	shalt  }
.Lfunc_end0:
.L_simem_size_0:
called_computation_lowered:
.L_overlay_start_0:
0x88: {  	s2 =	sld [smem:$0x3FD9]  }
0x89: {  	s3 =	sld [smem:$0x3FFE];
	_ =	sdelay $0x1  }
0x8a: {  	s1 =	srdreg.scid  }
0x8b: {  	s0 =	sand.u32 $0x1, s1  }
0x8c: {  	s17 =	sshll.u32 s0, $0xA;
	s2 =	sadd.s32 s3, s2  }
0x8d: {  	s2 =	sadd.s32 s2, s17  }
0x8e: {  	[smem:$0x3FC1] =	sst s2  }
0x8f: {  	_ = 	snop  }
0x90: {  	s2 =	sld [smem:$0x3FD0];
	(tm) =	ssettm $0x1  }
0x91: {  	s18 =	sld [smem:$0x3FFB];
	_ =	sdelay $0x3  }
0x92: {  	_ =	strace s18  }
0x93: {  	s3 =	sld [smem:$0x3FFC];
	_ =	sdelay $0x3  }
0x94: {  	_ =	strace s3  }
0x95: {  	s3 =	sld [smem:$0x3FFD];
	_ =	sdelay $0x3  }
0x96: {  	_ =	strace s3  }
0x97: {  	_ =	strace $0x8FFFFFFF  }
0x98: {  	s19 =	sld [smem:$0x3FDB];
	_ =	sdelay $0x1  }
0x99: {  	s4 =	simm.s32 $_scs_section_size  }
0x9a: {  	s5 =	simm.s32 $_size__tile_overlayer_lowered;
	s6 =	simm.s32 $_tile_overlayer_lowered  }
0x9b: {  	s22 =	simm.s32 $0x1BFF;
	s21 =	sshll.u32 s6, $0x1;
	s3 =	sadd.s32 s4, s19  }
0x9c: {  	s7 =	simm.s32 $0x0;
	s20 =	sshll.u32 s5, $0x1;
	s5 =	sadd.s32 s21, s3  }
0x9d: {  	[timem:s7], [sflag:s22] =	dma.local [hbm:s5], s20  }
0x9e: {  	_ =	swait.ge [sflag:s22], s20  }
0x9f: {  	s4 =	ssub.s32 $0x0, s20;
	[sflag:s22] =	ssyncset.done $0x0  }
0xa0: {  	[sflag:s22] =	ssyncadd.s32 s4;
	_ =	sdelay $0x1  }
0xa1: {  	s23 =	simm.s32 $0x1B8B  }
0xa2: {  	_ =	swait.ge [sflag:s23], $0x1  }
0xa3: {  	[sflag:s23] =	ssyncset.done $0x0  }
0xa4: {  	s25 =	simm.s32 $0x1B8E;
	s24 =	sld [smem:$0x3FFE];
	[sflag:s23] =	ssyncadd.s32 $0xFFFFFFFF  }
0xa5: {  	s26 =	simm.s32 $execute0_lowered;
	[smem:$0x3FD2] =	sst s25  }
0xa6: {  	s5 =	sshll.u32 s26, $0x1;
	_ =	strace $0x80000046;
	[dreg:$0x1] =	wrdreg $0xFFFFFFFF  }
0xa7: {  	s28 =	simm.s32 $_size_execute0_lowered;
	s3 =	sadd.s32 s3, s5;
	[dreg:$0x0] =	wrdreg $0x0  }
0xa8: {  	s5 =	sshll.u32 s28, $0x1;
	[dreg:$0x2] =	wrdreg s3  }
0xa9: {  	[dreg:$0x3] =	wrdreg s5  }
0xaa: {  	[dreg:$0x4] =	wrdreg $0xC0  }
0xab: {  	_ =	task [dreg:s7], $0x5FFFF  }
0xac: {  	[dreg:$0x1] =	wrdreg $0xFFFFFFFF  }
0xad: {  	[dreg:$0x0] =	wrdreg $0x60  }
0xae: {  	[dreg:$0x2] =	wrdreg s2  }
0xaf: {  	[dreg:$0x3] =	wrdreg s24  }
0xb0: {  	[dreg:$0x4] =	wrdreg $0x68000  }
0xb1: {  	[dreg:$0x5] =	wrdreg $0xA  }
0xb2: {  	_ =	task.clear_ibuf [dreg:s7], $0x6FFFF;
	_ =	strace $0x90000046  }
0xb3: {  	s29 =	simm.s32 $0xA;
	_ =	strace $0x80000048  }
0xb4: {  	_ =	swait.ge [sflag:s29], $0x1  }
0xb5: {  	[sflag:s29] =	ssyncadd.s32 $0xFFFFFFFF  }
0xb6: {  	_ =	strace $0x90000048  }
0xb7: {  	_ =	sfence  }
0xb8: {  	s30 =	sld [smem:$0x0];
	_ =	sdelay $0x2  }
0xb9: {  	s31 =	sshll.u32 s1, $0xD;
	s1 =	sshrl.u32 s1, $0x2  }
0xba: {  	s3 =	sand.u32 $0x4000, s31;
	s1 =	sadd.s32 s1, s30  }
0xbb: {  	s0 =	sor.u32 s3, s0;
	s1 =	sshll.u32 s1, $0x11  }
0xbc: {  	s0 =	sor.u32 s1, s0  }
0xbd: {  	s0 =	sadd.s32 $0x8F2B, s0  }
0xbe: {  	[sflag:s0] =	ssyncadd.remote.s32 $0x1  }
0xbf: {  	_ =	sfence.sel $0xFFFF  }
0xc0: {  	[dreg:$0x0] =	wrdreg $0xFFFFFFFF;
	(pc) =	sbr.abs _section_cstart, $3  }
0xc1: {  	[dreg:$0x1] =	wrdreg $0xFFFFFFFF  }
0xc2: {  	_ =	task.clear_ibuf [dreg:s7], $0x2FFFF;
	_ =	strace $0x9FFFFFFF  }
0xc3: {  	(tm) =	ssettm $0x7FFFFFFF  }
tec
execute0_lowered:
.L_overlay_start_1:
0x0: {  	(tag) =	ssettag $0x1  }
0x1: {  	s6 =	rddreg [dreg:$0x0]  }
0x2: {  	s7 =	rddreg [dreg:$0x1]  }
0x3: {  	s1 =	rddreg [dreg:$0x2];
	s2 =	srdreg.scid  }
0x4: {  	s0 =	rddreg [dreg:$0x3];
	s3 =	simm.s32 $0x0;
	s13 =	simm.s32 $0x80  }
0x5: {  	s14 =	simm.s32 $0x1;
	s8 =	sand.u32 $0x1, s2;
	s2 =	stileid.u32  }
0x6: {  	s15 =	simm.s32 $0x0;
	[smem:$0x7FF] =	sst s3;
	s9 =	smul.u32 $0x140000, s8  }
0x7: {  	s4 =	sadd.s32 $0x2A00, s7;
	s5 =	sadd.s32 $0x3200, s7;
	s10 =	smul.u32 $0x14000, s2  }
0x8: {  	_ =	strace $0x80000047;
	s28 =	sshll.u32 s8, $0x4;
	s8 =	ssub.s32 $0x2, s8  }
0x9: {  	s11 =	smul.u32 $0x50000, s2;
	s31 =	sshll.u32 s2, $0x6;
	s12 =	sshrl.u32 s8, $0x1  }
0xa: {  	s9 =	sadd.s32 s10, s9;
	s10 =	sor.u32 s2, s28;
	s8 =	ssub.s32 s8, s12  }
0xb: {  	s29 =	sshrl.u32 s11, $0x2;
	s11 =	sor.u32 $0x1C02, s31;
	s9 =	sshrl.u32 s9, $0x3  }
0xc: {  	s10 =	smul.u32 $0x500, s10;
	s30 =	sadd.s32 s29, s1;
	s8 =	smax.u32 s8, $0x1  }
0xd: {  	s7 =	sadd.s32 s9, s7;
	s9 =	simm.s32 $0x2;
	s12 =	sshrl.u32 s30, $0x3  }
0xe: {  	s6 =	sadd.s32 s6, s10;
	s7 =	sadd.s32 $0x5A00, s7;
	s10 =	simm.s32 $0x2800  }
.LBB2_1:
0xf: {  	[tilespmem:s3], [sflag:$0x2] =	stream.linear.gather [hbm4b:s6+s3], $0x2780, $0x38;
	[tilespmem:$0x1A800] =	vst v63  }
0x10: {  	_ =	swait.ge [sflag:s9], $0x2780  }
0x11: {  	[sflag:s9] =	ssyncset.done $0x0  }
0x12: {  	[sflag:s9] =	ssyncadd.s32 $0xFFFFD880  }
0x13: {  	[tilespmem:s10], [sflag:$0x2] =	stream.linear.gather [hbm4b:s4+s3], $0x4000, $0x38;
	[tilespmem:$0x1A800] =	vst v63  }
0x14: {  	_ =	swait.ge [sflag:s9], $0x4000  }
0x15: {  	[sflag:s9] =	ssyncset.done $0x0  }
0x16: {  	[sflag:s9] =	ssyncadd.s32 $0xFFFFC000  }
0x17: {  	[spmem:s12], [sflag:s11] =	dma.local [hbm:s5], $0x2800  }
0x18: {  	_ =	swait.ge [sflag:s9], $0x2800  }
0x19: {  	[sflag:s9] =	ssyncset.done $0x0  }
0x1a: {  	[sflag:s9] =	ssyncadd.s32 $0xFFFFD800  }
0x1b: {  	[bflag:$0x0] =	sbarrier.arrive $0xFFFF  }
0x1c: {  	[spmem:s1] =	stream.indirect.scatter.add.f32 [tilespmem:s10], [sflag:$0x1], $0x80, s3, s13, $0xb8;
	[tilespmem:$0x1A800] =	vst v63  }
0x1d: {  	s16 =	simm.s32 $0x80  }
0x1e: {  	[spmem:s1] =	stream.indirect.scatter.add.f32 [tilespmem:s10], [sflag:$0x1], $0x80, s16, s13, $0xb8;
	[tilespmem:$0x1A800] =	vst v63  }
0x1f: {  	_ =	swait.ge [sflag:s14], $0x4000  }
0x20: {  	s16 =	simm.s32 $0x400;
	[sflag:s14] =	ssyncset.done $0x0  }
.LBB2_2:
0x21: {  	s17 =	sshra.s32 s16, $0x2;
	[sflag:s14] =	ssyncadd.s32 $0xFFFFC000;
	p0 =	sne.s32 s16, $0x9C00  }
0x22: {  	[spmem:s1] =	stream.indirect.scatter.add.f32 [tilespmem:s10], [sflag:$0x1], $0x80, s17, s13, $0xb8;
	[tilespmem:$0x1A800] =	vst v63  }
.Ltmp0:
0x23: {  	_ = 	snop;
	(pc) =	sbr.rel @p0 .LBB2_2-.Ltmp0, $4  }
0x24: {  	_ = 	snop  }
0x25: {  	s16 =	sadd.s32 $0x200, s16  }
0x26: {  	_ =	swait.ge [sflag:s14], $0x4000  }
0x27: {  	[sflag:s14] =	ssyncset.done $0x0  }
0x28: {  	[sflag:s14] =	ssyncadd.s32 $0xFFFFC000  }
0x29: {  	_ =	swait.ge [sflag:s14], $0x4000  }
0x2a: {  	s15 =	sadd.s32 $0x1, s15;
	[sflag:s14] =	ssyncset.done $0x0  }
0x2b: {  	p0 =	sne.s32 s15, s8;
	[sflag:s14] =	ssyncadd.s32 $0xFFFFC000  }
.Ltmp1:
0x2c: {  	[bflag:$0x0] =	sbarrier.arrive $0xFFFF;
	(pc) =	sbr.rel @p0 .LBB2_1-.Ltmp1, $4  }
0x2d: {  	[hbm:s7], [sflag:s11] =	dma.local [spmem:s12], $0x2800  }
0x2e: {  	_ =	swait.ge [sflag:s9], $0x2800  }
0x2f: {  	[sflag:s9] =	ssyncset.done $0x0  }
0x30: {  	[sflag:s9] =	ssyncadd.s32 $0xFFFFD800  }
0x31: {  	_ =	sfence.sel $0x180000  }
0x32: {  	[bflag:$0x0] =	sbarrier.arrive $0xFFFF  }
0x33: {  	p0 =	sne.s32 s2, $0x0;
	_ =	strace $0x90000047  }
0x34: {  	s0 =	sadd.s32 @!p0 $0x100000, s0;
	[bflag:$0x2] =	sbarrier.arrive $0xFFFF  }
0x35: {  	[sflag:s0] =	ssyncadd.tile.s32 @!p0 $0x1;
	_ =	shalt  }
.Lfunc_end2:
_tile_overlayer_lowered:
.L_overlay_start_2:
0x36: {  	(tag) =	ssettag $0x2  }
0x37: {  	s0 =	rddreg [dreg:$0x0];
	s2 =	stileid.u32  }
0x38: {  	s1 =	rddreg [dreg:$0x1];
	p0 =	sne.s32 s2, $0x0  }
0x39: {  	s3 =	rddreg [dreg:$0x2];
	[bflag:$0x3] =	sbarrier.arrive $0xFFFF;
	s2 =	simm.s32 @!p0 $0x1C02  }
0x3a: {  	[timem:s3], [sflag:s2] =	dma.local @!p0 [hbm:s0], s1  }
0x3b: {  	s0 =	simm.s32 @!p0 $0x2  }
0x3c: {  	_ =	swait.ge @!p0 [sflag:s0], s1  }
0x3d: {  	s1 =	ssub.s32 @!p0 $0x0, s1;
	[sflag:s0] =	ssyncset.done @!p0 $0x0  }
0x3e: {  	[sflag:s0] =	ssyncadd.s32 @!p0 s1  }
0x3f: {  	[bflag:$0x3] =	sbarrier.arrive $0xFFFF  }
0x40: {  	_ =	shalt  }

</sc_bundles>
